<compile_context>
chip_gen: v7x
topology: tpu7x:2x2x1
jax: 0.10.2.dev20260603
libtpu: 0.0.44.dev20260713+nightly
codegen_flags: <defaults>
</compile_context>

<pallas_src>
import functools

import jax
import jax.numpy as jnp
from jax import lax
from jax.experimental import pallas as pl
from jax.experimental.pallas import tpu as pltpu
from jax.experimental.pallas import tpu_sc as plsc

N_NODES = 10000
D_IN = 128
D_HID = 200
N_CLS = 40
D2 = 48
N_PAD = 10240
N_TILES = 32
ROWS_PER_TILE = N_PAD // 16
CH = 128
NBUF = 2

_MESH = plsc.VectorSubcoreMesh(core_axis_name="c", subcore_axis_name="s")
_SC_PARAMS = pltpu.CompilerParams(use_tc_tiling_on_sc=False)


def _sc_degree(dst3, ones, zeros, nch, chunk):

    @functools.partial(
        pl.kernel,
        out_type=jax.ShapeDtypeStruct((2, N_PAD, 16), jnp.float32),
        mesh=_MESH,
        compiler_params=_SC_PARAMS,
        scratch_types=[
            pltpu.VMEM((nch, chunk), jnp.int32),
            pltpu.VMEM((chunk, 16), jnp.float32),
            pltpu.VMEM_SHARED((N_PAD, 16), jnp.float32),
        ],
    )
    def k(dst_hbm, ones_hbm, z_hbm, out_hbm, dst_v, ones_v, acc):
        c = lax.axis_index("c")
        s = lax.axis_index("s")
        wid = s * 2 + c
        row0 = s * ROWS_PER_TILE
        pltpu.sync_copy(dst_hbm.at[wid], dst_v)
        pltpu.sync_copy(ones_hbm, ones_v)
        pltpu.sync_copy(z_hbm, acc.at[pl.ds(row0, ROWS_PER_TILE)])
        plsc.subcore_barrier()

        @pl.loop(0, nch)
        def _(j):
            pltpu.sync_copy(ones_v, acc.at[dst_v.at[j]], add=True)

        plsc.subcore_barrier()
        pltpu.sync_copy(
            acc.at[pl.ds(row0, ROWS_PER_TILE)],
            out_hbm.at[c, pl.ds(row0, ROWS_PER_TILE)],
        )

    return k(dst3, ones, zeros)


def _sc_segment_sum(g, src3, dst3, zeros, d, nch, chunk):
    assert nch % (2 * NBUF) == 0
    H = nch // 2

    @functools.partial(
        pl.kernel,
        out_type=jax.ShapeDtypeStruct((2, N_PAD, d), jnp.float32),
        mesh=_MESH,
        compiler_params=_SC_PARAMS,
        scratch_types=[
            pltpu.VMEM((H, chunk), jnp.int32),
            pltpu.VMEM((H, chunk), jnp.int32),
        ]
        + [pltpu.VMEM((chunk, d), jnp.float32) for _ in range(NBUF)]
        + [pltpu.VMEM_SHARED((N_PAD, d), jnp.float32)]
        + [pltpu.SemaphoreType.DMA for _ in range(NBUF)],
    )
    def k(g_hbm, src_hbm, dst_hbm, z_hbm, out_hbm, src_v, dst_v, *rest):
        gbufs = rest[:NBUF]
        acc = rest[NBUF]
        sems = rest[NBUF + 1:]
        c = lax.axis_index("c")
        s = lax.axis_index("s")
        wid = s * 2 + c
        row0 = s * ROWS_PER_TILE

        pltpu.sync_copy(z_hbm, gbufs[0])
        for i in range(ROWS_PER_TILE // chunk):
            pltpu.sync_copy(gbufs[0], acc.at[pl.ds(row0 + i * chunk, chunk)])
        plsc.subcore_barrier()

        for h in range(2):
            pltpu.sync_copy(src_hbm.at[wid, pl.ds(h * H, H)], src_v)
            pltpu.sync_copy(dst_hbm.at[wid, pl.ds(h * H, H)], dst_v)

            for b in range(NBUF):
                pltpu.async_copy(g_hbm.at[src_v.at[b]], gbufs[b], sems[b])

            @pl.loop(0, H, step=NBUF)
            def _(q):
                for b in range(NBUF):
                    pltpu.make_async_copy(
                        g_hbm.at[src_v.at[q + b]], gbufs[b], sems[b]
                    ).wait()
                    pltpu.sync_copy(gbufs[b], acc.at[dst_v.at[q + b]], add=True)

                    @pl.when(q + b + NBUF < H)
                    def _():
                        pltpu.async_copy(
                            g_hbm.at[src_v.at[q + b + NBUF]], gbufs[b], sems[b]
                        )

        plsc.subcore_barrier()
        pltpu.sync_copy(
            acc.at[pl.ds(row0, ROWS_PER_TILE)],
            out_hbm.at[c, pl.ds(row0, ROWS_PER_TILE)],
        )

    return k(g, src3, dst3, zeros)


_R = 512


def _tc_prescale(degp, feat):
    def body(degp_ref, feat_ref, d_ref, g1_ref):
        dp = degp_ref[...]
        deg = dp[0, :, 0:1] + dp[1, :, 0:1] + 1.0
        dcol = lax.rsqrt(deg)
        dbc = jnp.broadcast_to(dcol, (_R, 128))
        d_ref[...] = dbc
        g1_ref[...] = feat_ref[...] * dbc

    return pl.pallas_call(
        body,
        grid=(N_PAD // _R,),
        in_specs=[
            pl.BlockSpec((2, _R, 16), lambda i: (0, i, 0)),
            pl.BlockSpec((_R, 128), lambda i: (i, 0)),
        ],
        out_specs=[
            pl.BlockSpec((_R, 128), lambda i: (i, 0)),
            pl.BlockSpec((_R, 128), lambda i: (i, 0)),
        ],
        out_shape=[
            jax.ShapeDtypeStruct((N_PAD, 128), jnp.float32),
            jax.ShapeDtypeStruct((N_PAD, 128), jnp.float32),
        ],
    )(degp, feat)


def _tc_layer(agg1p, g1, d, W1, b1, W2p):
    def body(ap_ref, g1_ref, d_ref, w1_ref, b1_ref, w2_ref, g2_ref):
        ap = ap_ref[...]
        dbc = d_ref[...]
        t = (ap[0] + ap[1] + g1_ref[...]) * dbc
        x1 = jnp.dot(t, w1_ref[...], preferred_element_type=jnp.float32)
        x1 = jnp.maximum(x1 + b1_ref[...], 0.0)
        h2 = jnp.dot(x1, w2_ref[...], preferred_element_type=jnp.float32)
        g2_ref[...] = h2 * dbc[:, :D2]

    return pl.pallas_call(
        body,
        grid=(N_PAD // _R,),
        in_specs=[
            pl.BlockSpec((2, _R, 128), lambda i: (0, i, 0)),
            pl.BlockSpec((_R, 128), lambda i: (i, 0)),
            pl.BlockSpec((_R, 128), lambda i: (i, 0)),
            pl.BlockSpec((D_IN, D_HID), lambda i: (0, 0)),
            pl.BlockSpec((1, D_HID), lambda i: (0, 0)),
            pl.BlockSpec((D_HID, D2), lambda i: (0, 0)),
        ],
        out_specs=pl.BlockSpec((_R, D2), lambda i: (i, 0)),
        out_shape=jax.ShapeDtypeStruct((N_PAD, D2), jnp.float32),
    )(agg1p, g1, d, W1, b1, W2p)


def _tc_final(agg2p, g2, d, b2):
    def body(ap_ref, g2_ref, d_ref, b2_ref, o_ref):
        ap = ap_ref[...]
        t = (ap[0] + ap[1] + g2_ref[...]) * d_ref[:, :D2]
        o_ref[...] = jnp.maximum(t + b2_ref[...], 0.0)

    return pl.pallas_call(
        body,
        grid=(N_PAD // _R,),
        in_specs=[
            pl.BlockSpec((2, _R, D2), lambda i: (0, i, 0)),
            pl.BlockSpec((_R, D2), lambda i: (i, 0)),
            pl.BlockSpec((_R, 128), lambda i: (i, 0)),
            pl.BlockSpec((1, D2), lambda i: (0, 0)),
        ],
        out_specs=pl.BlockSpec((_R, D2), lambda i: (i, 0)),
        out_shape=jax.ShapeDtypeStruct((N_PAD, D2), jnp.float32),
    )(agg2p, g2, d, b2)


def kernel(features, edge_index, W1, b1, W2, b2):
    e = edge_index.shape[1]
    nch = -(-e // (N_TILES * CH))
    nch = -(-nch // (2 * NBUF)) * (2 * NBUF)
    e_pad = N_TILES * nch * CH - e

    src = edge_index[0].astype(jnp.int32)
    dst = edge_index[1].astype(jnp.int32)
    src3 = jnp.pad(src, (0, e_pad)).reshape(N_TILES, nch, CH)
    dst3 = jnp.pad(dst, (0, e_pad), constant_values=N_NODES).reshape(N_TILES, nch, CH)

    feat_pad = jnp.pad(features, ((0, N_PAD - N_NODES), (0, 0)))
    W2p = jnp.pad(W2, ((0, 0), (0, D2 - N_CLS)))
    b1r = b1.reshape(1, D_HID)
    b2r = jnp.pad(b2, (0, D2 - N_CLS)).reshape(1, D2)
    ones16 = jnp.ones((CH, 16), jnp.float32)
    zeros16 = jnp.zeros((ROWS_PER_TILE, 16), jnp.float32)
    zeros128 = jnp.zeros((CH, 128), jnp.float32)
    zeros48 = jnp.zeros((CH, D2), jnp.float32)

    degp = _sc_degree(dst3, ones16, zeros16, nch, CH)
    d_bcast, g1 = _tc_prescale(degp, feat_pad)
    agg1p = _sc_segment_sum(g1, src3, dst3, zeros128, 128, nch, CH)
    g2 = _tc_layer(agg1p, g1, d_bcast, W1, b1r, W2p)
    agg2p = _sc_segment_sum(g2, src3, dst3, zeros48, D2, nch, CH)
    out = _tc_final(agg2p, g2, d_bcast, b2r)
    return out[:N_NODES, :N_CLS]

# --- scband reference (transcript-rebuilt; emitter-appended) ---
"""Pipeline reference for scband-classifer-88854283419698 (READ-ONLY COPY).

The authoritative reference and input builder live on the scoring server;
editing this copy changes nothing except your own understanding.
"""

import jax, jax.numpy as jnp
import numpy as np

N_NODES = 10000
N_EDGES = 320000
D_IN = 128
D_HID = 200
N_CLASSES = 40


def setup_inputs(seed: int = 0) -> dict:
    key = jax.random.key(seed)
    k1, k2, k3, k4, k5, k6 = jax.random.split(key, 6)
    features = jax.random.normal(k1, (N_NODES, D_IN), dtype=jnp.float32)
    edge_index = jax.random.randint(k2, (2, N_EDGES), 0, N_NODES, dtype=jnp.int64)
    W1 = jax.random.normal(k3, (D_IN, D_HID), dtype=jnp.float32) * (1.0 / np.sqrt(D_IN))
    b1 = jnp.zeros((D_HID,), dtype=jnp.float32)
    W2 = jax.random.normal(k4, (D_HID, N_CLASSES), dtype=jnp.float32) * (1.0 / np.sqrt(D_HID))
    b2 = jnp.zeros((N_CLASSES,), dtype=jnp.float32)
    return {"features": features, "edge_index": edge_index, "W1": W1, "b1": b1, "W2": W2, "b2": b2}


def _gcn_layer(x, edge_index, W, b):
    # GCN with symmetric normalization and self-loops: D^{-1/2} (A + I) D^{-1/2} X W
    h = x @ W
    src = edge_index[0]
    dst = edge_index[1]
    deg = jax.ops.segment_sum(jnp.ones((src.shape[0],), dtype=jnp.float32), dst, num_segments=x.shape[0]) + 1.0
    inv_sqrt_deg = jnp.reciprocal(jnp.sqrt(deg))
    norm = inv_sqrt_deg[src] * inv_sqrt_deg[dst]
    msg = h[src] * norm[:, None]
    agg = jax.ops.segment_sum(msg, dst, num_segments=x.shape[0])
    agg = agg + h * (inv_sqrt_deg * inv_sqrt_deg)[:, None]  # self-loop contribution
    return jax.nn.relu(agg + b)


def reference(features, edge_index, W1, b1, W2, b2):
    x = _gcn_layer(features, edge_index, W1, b1)  # embedding (N, 200)
    x = _gcn_layer(x, edge_index, W2, b2)        # logits (N, 40)
    return x

if __name__ == "__main__":
    import jax
    _d = setup_inputs()
    print(jax.jit(kernel)(*tuple(_d.values())))

</pallas_src>

<mosaic_0001>
#map = affine_map<(d0, d1) -> (0, 0, 0)>
#map1 = affine_map<(d0, d1) -> (0, 0)>
module attributes {stable_mosaic.version = 14 : i64} {
  func.func @k(%arg0: i32, %arg1: i32, %arg2: memref<32x80x128xi32, #tpu.memory_space<hbm>>, %arg3: memref<128x16xf32, #tpu.memory_space<hbm>>, %arg4: memref<640x16xf32, #tpu.memory_space<hbm>>, %arg5: memref<2x10240x16xf32, #tpu.memory_space<hbm>>, %arg6: memref<80x128xi32, #tpu.memory_space<vmem>>, %arg7: memref<128x16xf32, #tpu.memory_space<vmem>>, %arg8: memref<10240x16xf32, #tpu.memory_space<vmem_shared>>) attributes {dimension_semantics = [#tpu.dimension_semantics<core_parallel>, #tpu.dimension_semantics<subcore_parallel>], iteration_bounds = array<i64: 2, 16>, scalar_prefetch = 0 : i64, scratch_operands = 3 : i64, tpu.core_type = #tpu.core_type<sc_vector_subcore>, window_params = [{transform_indices = #map}, {transform_indices = #map1}, {transform_indices = #map1}, {transform_indices = #map}]} {
    %mul3A = arith.constant 2 : i32
    %mul3A_0 = arith.muli %arg1, %mul3A : i32
    %add3A = arith.addi %mul3A_0, %arg0 : i32
    %mul3A_1 = arith.constant 640 : i32
    %mul3A_2 = arith.muli %arg1, %mul3A_1 : i32
    "tpu.region"() ({
      %run_scoped3A = tpu.sem_alloc : memref<!tpu.dma_semaphore, #tpu.memory_space<semaphore_mem>>
      %dma_start3A = arith.constant 0 : i32
      %dma_start3A_8 = arith.constant 0 : i32
      %dma_start3A_9 = tpu.memref_slice %arg2[%add3A, %dma_start3A, %dma_start3A_8] : memref<32x80x128xi32, #tpu.memory_space<hbm>> -> memref<1x80x128xi32, #tpu.memory_space<hbm>>
      %dma_start3A_10 = tpu.memref_squeeze %dma_start3A_9 : memref<1x80x128xi32, #tpu.memory_space<hbm>> -> memref<80x128xi32, #tpu.memory_space<hbm>>
      %dma_start3A_11 = arith.constant 0 : i32
      %dma_start3A_12 = arith.constant 0 : i32
      %dma_start3A_13 = tpu.memref_slice %arg2[%add3A, %dma_start3A_11, %dma_start3A_12] : memref<32x80x128xi32, #tpu.memory_space<hbm>> -> memref<1x80x128xi32, #tpu.memory_space<hbm>>
      %dma_start3A_14 = tpu.memref_squeeze %dma_start3A_13 : memref<1x80x128xi32, #tpu.memory_space<hbm>> -> memref<80x128xi32, #tpu.memory_space<hbm>>
      tpu.enqueue_dma source(%dma_start3A_14 : memref<80x128xi32, #tpu.memory_space<hbm>>) target(%arg6 : memref<80x128xi32, #tpu.memory_space<vmem>>) target_semaphore(%run_scoped3A : memref<!tpu.dma_semaphore, #tpu.memory_space<semaphore_mem>>)
      %dma_wait3A = arith.constant 0 : i32
      %dma_wait3A_15 = arith.constant 0 : i32
      %dma_wait3A_16 = tpu.memref_slice %arg2[%add3A, %dma_wait3A, %dma_wait3A_15] : memref<32x80x128xi32, #tpu.memory_space<hbm>> -> memref<1x80x128xi32, #tpu.memory_space<hbm>>
      %dma_wait3A_17 = tpu.memref_squeeze %dma_wait3A_16 : memref<1x80x128xi32, #tpu.memory_space<hbm>> -> memref<80x128xi32, #tpu.memory_space<hbm>>
      %dma_wait3A_18 = arith.constant 0 : i32
      %dma_wait3A_19 = arith.constant 0 : i32
      %dma_wait3A_20 = tpu.memref_slice %arg2[%add3A, %dma_wait3A_18, %dma_wait3A_19] : memref<32x80x128xi32, #tpu.memory_space<hbm>> -> memref<1x80x128xi32, #tpu.memory_space<hbm>>
      %dma_wait3A_21 = tpu.memref_squeeze %dma_wait3A_20 : memref<1x80x128xi32, #tpu.memory_space<hbm>> -> memref<80x128xi32, #tpu.memory_space<hbm>>
      tpu.wait_dma2 semaphore(%run_scoped3A : memref<!tpu.dma_semaphore, #tpu.memory_space<semaphore_mem>>) src(%dma_wait3A_21 : memref<80x128xi32, #tpu.memory_space<hbm>>) dst(%arg6 : memref<80x128xi32, #tpu.memory_space<vmem>>)
      tpu.yield
    }) : () -> ()
    "tpu.region"() ({
      %run_scoped3A = tpu.sem_alloc : memref<!tpu.dma_semaphore, #tpu.memory_space<semaphore_mem>>
      tpu.enqueue_dma source(%arg3 : memref<128x16xf32, #tpu.memory_space<hbm>>) target(%arg7 : memref<128x16xf32, #tpu.memory_space<vmem>>) target_semaphore(%run_scoped3A : memref<!tpu.dma_semaphore, #tpu.memory_space<semaphore_mem>>)
      tpu.wait_dma2 semaphore(%run_scoped3A : memref<!tpu.dma_semaphore, #tpu.memory_space<semaphore_mem>>) src(%arg3 : memref<128x16xf32, #tpu.memory_space<hbm>>) dst(%arg7 : memref<128x16xf32, #tpu.memory_space<vmem>>)
      tpu.yield
    }) : () -> ()
    "tpu.region"() ({
      %run_scoped3A = tpu.sem_alloc : memref<!tpu.dma_semaphore, #tpu.memory_space<semaphore_mem>>
      %dma_start3A = arith.constant 0 : i32
      %dma_start3A_8 = tpu.memref_slice %arg8[%mul3A_2, %dma_start3A] : memref<10240x16xf32, #tpu.memory_space<vmem_shared>> -> memref<640x16xf32, #tpu.memory_space<vmem_shared>>
      tpu.enqueue_dma source(%arg4 : memref<640x16xf32, #tpu.memory_space<hbm>>) target(%dma_start3A_8 : memref<640x16xf32, #tpu.memory_space<vmem_shared>>) target_semaphore(%run_scoped3A : memref<!tpu.dma_semaphore, #tpu.memory_space<semaphore_mem>>)
      %dma_wait3A = arith.constant 0 : i32
      %dma_wait3A_9 = tpu.memref_slice %arg8[%mul3A_2, %dma_wait3A] : memref<10240x16xf32, #tpu.memory_space<vmem_shared>> -> memref<640x16xf32, #tpu.memory_space<vmem_shared>>
      tpu.wait_dma2 semaphore(%run_scoped3A : memref<!tpu.dma_semaphore, #tpu.memory_space<semaphore_mem>>) src(%arg4 : memref<640x16xf32, #tpu.memory_space<hbm>>) dst(%dma_wait3A_9 : memref<640x16xf32, #tpu.memory_space<vmem_shared>>)
      tpu.yield
    }) : () -> ()
    %barrier3A = arith.constant 0 : index
    tpu.barrier barrier_id(%barrier3A)
    %scan3A = arith.constant 0 : i32
    %scan3A_3 = arith.constant 80 : i32
    %scan3A_4 = arith.addi %scan3A, %scan3A_3 : i32
    %scan3A_5 = arith.constant 1 : i32
    scf.for %scan3A_8 = %scan3A to %scan3A_4 step %scan3A_5  : i32 {
      %mul3A_9 = arith.constant 1 : i32
      %mul3A_10 = arith.muli %scan3A_8, %mul3A_9 : i32
      %add3A_11 = arith.constant 0 : i32
      %add3A_12 = arith.addi %add3A_11, %mul3A_10 : i32
      "tpu.region"() ({
        %run_scoped3A = tpu.sem_alloc : memref<!tpu.dma_semaphore, #tpu.memory_space<semaphore_mem>>
        %dma_start3A = arith.constant 0 : i32
        %dma_start3A_13 = tpu.memref_slice %arg6[%add3A_12, %dma_start3A] : memref<80x128xi32, #tpu.memory_space<vmem>> -> memref<1x128xi32, #tpu.memory_space<vmem>>
        %dma_start3A_14 = tpu.memref_squeeze %dma_start3A_13 : memref<1x128xi32, #tpu.memory_space<vmem>> -> memref<128xi32, #tpu.memory_space<vmem>>
        %dma_start3A_15 = arith.constant 0 : i32
        %dma_start3A_16 = arith.constant 0 : i32
        %dma_start3A_17 = tpu.memref_slice %arg8[%dma_start3A_15, %dma_start3A_16] : memref<10240x16xf32, #tpu.memory_space<vmem_shared>> -> memref<10240x16xf32, #tpu.memory_space<vmem_shared>>
        tpu.enqueue_indirect_dma source(%arg7 : memref<128x16xf32, #tpu.memory_space<vmem>>) target(%dma_start3A_17 : memref<10240x16xf32, #tpu.memory_space<vmem_shared>>) offsets(%dma_start3A_14 : memref<128xi32, #tpu.memory_space<vmem>>) semaphore(%run_scoped3A : memref<!tpu.dma_semaphore, #tpu.memory_space<semaphore_mem>>) {add = true}
        %dma_wait3A = arith.constant 0 : i32
        %dma_wait3A_18 = tpu.memref_slice %arg6[%add3A_12, %dma_wait3A] : memref<80x128xi32, #tpu.memory_space<vmem>> -> memref<1x128xi32, #tpu.memory_space<vmem>>
        %dma_wait3A_19 = tpu.memref_squeeze %dma_wait3A_18 : memref<1x128xi32, #tpu.memory_space<vmem>> -> memref<128xi32, #tpu.memory_space<vmem>>
        %dma_wait3A_20 = arith.constant 0 : i32
        %dma_wait3A_21 = arith.constant 0 : i32
        %dma_wait3A_22 = tpu.memref_slice %arg8[%dma_wait3A_20, %dma_wait3A_21] : memref<10240x16xf32, #tpu.memory_space<vmem_shared>> -> memref<10240x16xf32, #tpu.memory_space<vmem_shared>>
        tpu.wait_indirect_dma semaphore(%run_scoped3A : memref<!tpu.dma_semaphore, #tpu.memory_space<semaphore_mem>>) src(%arg7 : memref<128x16xf32, #tpu.memory_space<vmem>>) dst(%dma_wait3A_22 : memref<10240x16xf32, #tpu.memory_space<vmem_shared>>)
        tpu.yield
      }) : () -> ()
    }
    %scan3A_6 = arith.constant 80 : i32
    %barrier3A_7 = arith.constant 0 : index
    tpu.barrier barrier_id(%barrier3A_7)
    "tpu.region"() ({
      %run_scoped3A = tpu.sem_alloc : memref<!tpu.dma_semaphore, #tpu.memory_space<semaphore_mem>>
      %dma_start3A = arith.constant 0 : i32
      %dma_start3A_8 = tpu.memref_slice %arg5[%arg0, %mul3A_2, %dma_start3A] : memref<2x10240x16xf32, #tpu.memory_space<hbm>> -> memref<1x640x16xf32, #tpu.memory_space<hbm>>
      %dma_start3A_9 = tpu.memref_squeeze %dma_start3A_8 : memref<1x640x16xf32, #tpu.memory_space<hbm>> -> memref<640x16xf32, #tpu.memory_space<hbm>>
      %dma_start3A_10 = arith.constant 0 : i32
      %dma_start3A_11 = tpu.memref_slice %arg8[%mul3A_2, %dma_start3A_10] : memref<10240x16xf32, #tpu.memory_space<vmem_shared>> -> memref<640x16xf32, #tpu.memory_space<vmem_shared>>
      tpu.enqueue_dma source(%dma_start3A_11 : memref<640x16xf32, #tpu.memory_space<vmem_shared>>) target(%dma_start3A_9 : memref<640x16xf32, #tpu.memory_space<hbm>>) target_semaphore(%run_scoped3A : memref<!tpu.dma_semaphore, #tpu.memory_space<semaphore_mem>>)
      %dma_wait3A = arith.constant 0 : i32
      %dma_wait3A_12 = tpu.memref_slice %arg5[%arg0, %mul3A_2, %dma_wait3A] : memref<2x10240x16xf32, #tpu.memory_space<hbm>> -> memref<1x640x16xf32, #tpu.memory_space<hbm>>
      %dma_wait3A_13 = tpu.memref_squeeze %dma_wait3A_12 : memref<1x640x16xf32, #tpu.memory_space<hbm>> -> memref<640x16xf32, #tpu.memory_space<hbm>>
      %dma_wait3A_14 = arith.constant 0 : i32
      %dma_wait3A_15 = tpu.memref_slice %arg8[%mul3A_2, %dma_wait3A_14] : memref<10240x16xf32, #tpu.memory_space<vmem_shared>> -> memref<640x16xf32, #tpu.memory_space<vmem_shared>>
      tpu.wait_dma2 semaphore(%run_scoped3A : memref<!tpu.dma_semaphore, #tpu.memory_space<semaphore_mem>>) src(%dma_wait3A_15 : memref<640x16xf32, #tpu.memory_space<vmem_shared>>) dst(%dma_wait3A_13 : memref<640x16xf32, #tpu.memory_space<hbm>>)
      tpu.yield
    }) : () -> ()
    return
  }
}

#map = affine_map<(d0, d1) -> (0, 0)>
#map1 = affine_map<(d0, d1) -> (0, 0, 0)>
module attributes {stable_mosaic.version = 14 : i64} {
  func.func @k(%arg0: i32, %arg1: i32, %arg2: memref<10240x48xf32, #tpu.memory_space<hbm>>, %arg3: memref<32x80x128xi32, #tpu.memory_space<hbm>>, %arg4: memref<32x80x128xi32, #tpu.memory_space<hbm>>, %arg5: memref<128x48xf32, #tpu.memory_space<hbm>>, %arg6: memref<2x10240x48xf32, #tpu.memory_space<hbm>>, %arg7: memref<40x128xi32, #tpu.memory_space<vmem>>, %arg8: memref<40x128xi32, #tpu.memory_space<vmem>>, %arg9: memref<128x48xf32, #tpu.memory_space<vmem>>, %arg10: memref<128x48xf32, #tpu.memory_space<vmem>>, %arg11: memref<10240x48xf32, #tpu.memory_space<vmem_shared>>, %arg12: memref<!tpu.dma_semaphore, #tpu.memory_space<semaphore_mem>>, %arg13: memref<!tpu.dma_semaphore, #tpu.memory_space<semaphore_mem>>) attributes {dimension_semantics = [#tpu.dimension_semantics<core_parallel>, #tpu.dimension_semantics<subcore_parallel>], iteration_bounds = array<i64: 2, 16>, scalar_prefetch = 0 : i64, scratch_operands = 7 : i64, tpu.core_type = #tpu.core_type<sc_vector_subcore>, window_params = [{transform_indices = #map}, {transform_indices = #map1}, {transform_indices = #map1}, {transform_indices = #map}, {transform_indices = #map1}]} {
    %mul3A = arith.constant 2 : i32
    %mul3A_0 = arith.muli %arg1, %mul3A : i32
    %add3A = arith.addi %mul3A_0, %arg0 : i32
    %mul3A_1 = arith.constant 640 : i32
    %mul3A_2 = arith.muli %arg1, %mul3A_1 : i32
    "tpu.region"() ({
      %run_scoped3A = tpu.sem_alloc : memref<!tpu.dma_semaphore, #tpu.memory_space<semaphore_mem>>
      tpu.enqueue_dma source(%arg5 : memref<128x48xf32, #tpu.memory_space<hbm>>) target(%arg9 : memref<128x48xf32, #tpu.memory_space<vmem>>) target_semaphore(%run_scoped3A : memref<!tpu.dma_semaphore, #tpu.memory_space<semaphore_mem>>)
      tpu.wait_dma2 semaphore(%run_scoped3A : memref<!tpu.dma_semaphore, #tpu.memory_space<semaphore_mem>>) src(%arg5 : memref<128x48xf32, #tpu.memory_space<hbm>>) dst(%arg9 : memref<128x48xf32, #tpu.memory_space<vmem>>)
      tpu.yield
    }) : () -> ()
    %add3A_3 = arith.constant 0 : i32
    %add3A_4 = arith.addi %mul3A_2, %add3A_3 : i32
    "tpu.region"() ({
      %run_scoped3A = tpu.sem_alloc : memref<!tpu.dma_semaphore, #tpu.memory_space<semaphore_mem>>
      %dma_start3A_50 = arith.constant 0 : i32
      %dma_start3A_51 = tpu.memref_slice %arg11[%add3A_4, %dma_start3A_50] : memref<10240x48xf32, #tpu.memory_space<vmem_shared>> -> memref<128x48xf32, #tpu.memory_space<vmem_shared>>
      %dma_start3A_52 = arith.constant 0 : i32
      %dma_start3A_53 = tpu.memref_slice %arg11[%add3A_4, %dma_start3A_52] : memref<10240x48xf32, #tpu.memory_space<vmem_shared>> -> memref<128x48xf32, #tpu.memory_space<vmem_shared>>
      tpu.enqueue_dma source(%arg9 : memref<128x48xf32, #tpu.memory_space<vmem>>) target(%dma_start3A_53 : memref<128x48xf32, #tpu.memory_space<vmem_shared>>) target_semaphore(%run_scoped3A : memref<!tpu.dma_semaphore, #tpu.memory_space<semaphore_mem>>)
      %dma_wait3A = arith.constant 0 : i32
      %dma_wait3A_54 = tpu.memref_slice %arg11[%add3A_4, %dma_wait3A] : memref<10240x48xf32, #tpu.memory_space<vmem_shared>> -> memref<128x48xf32, #tpu.memory_space<vmem_shared>>
      %dma_wait3A_55 = arith.constant 0 : i32
      %dma_wait3A_56 = tpu.memref_slice %arg11[%add3A_4, %dma_wait3A_55] : memref<10240x48xf32, #tpu.memory_space<vmem_shared>> -> memref<128x48xf32, #tpu.memory_space<vmem_shared>>
      tpu.wait_dma2 semaphore(%run_scoped3A : memref<!tpu.dma_semaphore, #tpu.memory_space<semaphore_mem>>) src(%arg9 : memref<128x48xf32, #tpu.memory_space<vmem>>) dst(%dma_wait3A_56 : memref<128x48xf32, #tpu.memory_space<vmem_shared>>)
      tpu.yield
    }) : () -> ()
    %add3A_5 = arith.constant 128 : i32
    %add3A_6 = arith.addi %mul3A_2, %add3A_5 : i32
    "tpu.region"() ({
      %run_scoped3A = tpu.sem_alloc : memref<!tpu.dma_semaphore, #tpu.memory_space<semaphore_mem>>
      %dma_start3A_50 = arith.constant 0 : i32
      %dma_start3A_51 = tpu.memref_slice %arg11[%add3A_6, %dma_start3A_50] : memref<10240x48xf32, #tpu.memory_space<vmem_shared>> -> memref<128x48xf32, #tpu.memory_space<vmem_shared>>
      %dma_start3A_52 = arith.constant 0 : i32
      %dma_start3A_53 = tpu.memref_slice %arg11[%add3A_6, %dma_start3A_52] : memref<10240x48xf32, #tpu.memory_space<vmem_shared>> -> memref<128x48xf32, #tpu.memory_space<vmem_shared>>
      tpu.enqueue_dma source(%arg9 : memref<128x48xf32, #tpu.memory_space<vmem>>) target(%dma_start3A_53 : memref<128x48xf32, #tpu.memory_space<vmem_shared>>) target_semaphore(%run_scoped3A : memref<!tpu.dma_semaphore, #tpu.memory_space<semaphore_mem>>)
      %dma_wait3A = arith.constant 0 : i32
      %dma_wait3A_54 = tpu.memref_slice %arg11[%add3A_6, %dma_wait3A] : memref<10240x48xf32, #tpu.memory_space<vmem_shared>> -> memref<128x48xf32, #tpu.memory_space<vmem_shared>>
      %dma_wait3A_55 = arith.constant 0 : i32
      %dma_wait3A_56 = tpu.memref_slice %arg11[%add3A_6, %dma_wait3A_55] : memref<10240x48xf32, #tpu.memory_space<vmem_shared>> -> memref<128x48xf32, #tpu.memory_space<vmem_shared>>
      tpu.wait_dma2 semaphore(%run_scoped3A : memref<!tpu.dma_semaphore, #tpu.memory_space<semaphore_mem>>) src(%arg9 : memref<128x48xf32, #tpu.memory_space<vmem>>) dst(%dma_wait3A_56 : memref<128x48xf32, #tpu.memory_space<vmem_shared>>)
      tpu.yield
    }) : () -> ()
    %add3A_7 = arith.constant 256 : i32
    %add3A_8 = arith.addi %mul3A_2, %add3A_7 : i32
    "tpu.region"() ({
      %run_scoped3A = tpu.sem_alloc : memref<!tpu.dma_semaphore, #tpu.memory_space<semaphore_mem>>
      %dma_start3A_50 = arith.constant 0 : i32
      %dma_start3A_51 = tpu.memref_slice %arg11[%add3A_8, %dma_start3A_50] : memref<10240x48xf32, #tpu.memory_space<vmem_shared>> -> memref<128x48xf32, #tpu.memory_space<vmem_shared>>
      %dma_start3A_52 = arith.constant 0 : i32
      %dma_start3A_53 = tpu.memref_slice %arg11[%add3A_8, %dma_start3A_52] : memref<10240x48xf32, #tpu.memory_space<vmem_shared>> -> memref<128x48xf32, #tpu.memory_space<vmem_shared>>
      tpu.enqueue_dma source(%arg9 : memref<128x48xf32, #tpu.memory_space<vmem>>) target(%dma_start3A_53 : memref<128x48xf32, #tpu.memory_space<vmem_shared>>) target_semaphore(%run_scoped3A : memref<!tpu.dma_semaphore, #tpu.memory_space<semaphore_mem>>)
      %dma_wait3A = arith.constant 0 : i32
      %dma_wait3A_54 = tpu.memref_slice %arg11[%add3A_8, %dma_wait3A] : memref<10240x48xf32, #tpu.memory_space<vmem_shared>> -> memref<128x48xf32, #tpu.memory_space<vmem_shared>>
      %dma_wait3A_55 = arith.constant 0 : i32
      %dma_wait3A_56 = tpu.memref_slice %arg11[%add3A_8, %dma_wait3A_55] : memref<10240x48xf32, #tpu.memory_space<vmem_shared>> -> memref<128x48xf32, #tpu.memory_space<vmem_shared>>
      tpu.wait_dma2 semaphore(%run_scoped3A : memref<!tpu.dma_semaphore, #tpu.memory_space<semaphore_mem>>) src(%arg9 : memref<128x48xf32, #tpu.memory_space<vmem>>) dst(%dma_wait3A_56 : memref<128x48xf32, #tpu.memory_space<vmem_shared>>)
      tpu.yield
    }) : () -> ()
    %add3A_9 = arith.constant 384 : i32
    %add3A_10 = arith.addi %mul3A_2, %add3A_9 : i32
    "tpu.region"() ({
      %run_scoped3A = tpu.sem_alloc : memref<!tpu.dma_semaphore, #tpu.memory_space<semaphore_mem>>
      %dma_start3A_50 = arith.constant 0 : i32
      %dma_start3A_51 = tpu.memref_slice %arg11[%add3A_10, %dma_start3A_50] : memref<10240x48xf32, #tpu.memory_space<vmem_shared>> -> memref<128x48xf32, #tpu.memory_space<vmem_shared>>
      %dma_start3A_52 = arith.constant 0 : i32
      %dma_start3A_53 = tpu.memref_slice %arg11[%add3A_10, %dma_start3A_52] : memref<10240x48xf32, #tpu.memory_space<vmem_shared>> -> memref<128x48xf32, #tpu.memory_space<vmem_shared>>
      tpu.enqueue_dma source(%arg9 : memref<128x48xf32, #tpu.memory_space<vmem>>) target(%dma_start3A_53 : memref<128x48xf32, #tpu.memory_space<vmem_shared>>) target_semaphore(%run_scoped3A : memref<!tpu.dma_semaphore, #tpu.memory_space<semaphore_mem>>)
      %dma_wait3A = arith.constant 0 : i32
      %dma_wait3A_54 = tpu.memref_slice %arg11[%add3A_10, %dma_wait3A] : memref<10240x48xf32, #tpu.memory_space<vmem_shared>> -> memref<128x48xf32, #tpu.memory_space<vmem_shared>>
      %dma_wait3A_55 = arith.constant 0 : i32
      %dma_wait3A_56 = tpu.memref_slice %arg11[%add3A_10, %dma_wait3A_55] : memref<10240x48xf32, #tpu.memory_space<vmem_shared>> -> memref<128x48xf32, #tpu.memory_space<vmem_shared>>
      tpu.wait_dma2 semaphore(%run_scoped3A : memref<!tpu.dma_semaphore, #tpu.memory_space<semaphore_mem>>) src(%arg9 : memref<128x48xf32, #tpu.memory_space<vmem>>) dst(%dma_wait3A_56 : memref<128x48xf32, #tpu.memory_space<vmem_shared>>)
      tpu.yield
    }) : () -> ()
    %add3A_11 = arith.constant 512 : i32
    %add3A_12 = arith.addi %mul3A_2, %add3A_11 : i32
    "tpu.region"() ({
      %run_scoped3A = tpu.sem_alloc : memref<!tpu.dma_semaphore, #tpu.memory_space<semaphore_mem>>
      %dma_start3A_50 = arith.constant 0 : i32
      %dma_start3A_51 = tpu.memref_slice %arg11[%add3A_12, %dma_start3A_50] : memref<10240x48xf32, #tpu.memory_space<vmem_shared>> -> memref<128x48xf32, #tpu.memory_space<vmem_shared>>
      %dma_start3A_52 = arith.constant 0 : i32
      %dma_start3A_53 = tpu.memref_slice %arg11[%add3A_12, %dma_start3A_52] : memref<10240x48xf32, #tpu.memory_space<vmem_shared>> -> memref<128x48xf32, #tpu.memory_space<vmem_shared>>
      tpu.enqueue_dma source(%arg9 : memref<128x48xf32, #tpu.memory_space<vmem>>) target(%dma_start3A_53 : memref<128x48xf32, #tpu.memory_space<vmem_shared>>) target_semaphore(%run_scoped3A : memref<!tpu.dma_semaphore, #tpu.memory_space<semaphore_mem>>)
      %dma_wait3A = arith.constant 0 : i32
      %dma_wait3A_54 = tpu.memref_slice %arg11[%add3A_12, %dma_wait3A] : memref<10240x48xf32, #tpu.memory_space<vmem_shared>> -> memref<128x48xf32, #tpu.memory_space<vmem_shared>>
      %dma_wait3A_55 = arith.constant 0 : i32
      %dma_wait3A_56 = tpu.memref_slice %arg11[%add3A_12, %dma_wait3A_55] : memref<10240x48xf32, #tpu.memory_space<vmem_shared>> -> memref<128x48xf32, #tpu.memory_space<vmem_shared>>
      tpu.wait_dma2 semaphore(%run_scoped3A : memref<!tpu.dma_semaphore, #tpu.memory_space<semaphore_mem>>) src(%arg9 : memref<128x48xf32, #tpu.memory_space<vmem>>) dst(%dma_wait3A_56 : memref<128x48xf32, #tpu.memory_space<vmem_shared>>)
      tpu.yield
    }) : () -> ()
    %barrier3A = arith.constant 0 : index
    tpu.barrier barrier_id(%barrier3A)
    "tpu.region"() ({
      %run_scoped3A = tpu.sem_alloc : memref<!tpu.dma_semaphore, #tpu.memory_space<semaphore_mem>>
      %dma_start3A_50 = arith.constant 0 : i32
      %dma_start3A_51 = arith.constant 0 : i32
      %dma_start3A_52 = tpu.memref_slice %arg3[%add3A, %dma_start3A_50, %dma_start3A_51] : memref<32x80x128xi32, #tpu.memory_space<hbm>> -> memref<1x40x128xi32, #tpu.memory_space<hbm>>
      %dma_start3A_53 = tpu.memref_squeeze %dma_start3A_52 : memref<1x40x128xi32, #tpu.memory_space<hbm>> -> memref<40x128xi32, #tpu.memory_space<hbm>>
      %dma_start3A_54 = arith.constant 0 : i32
      %dma_start3A_55 = arith.constant 0 : i32
      %dma_start3A_56 = tpu.memref_slice %arg3[%add3A, %dma_start3A_54, %dma_start3A_55] : memref<32x80x128xi32, #tpu.memory_space<hbm>> -> memref<1x40x128xi32, #tpu.memory_space<hbm>>
      %dma_start3A_57 = tpu.memref_squeeze %dma_start3A_56 : memref<1x40x128xi32, #tpu.memory_space<hbm>> -> memref<40x128xi32, #tpu.memory_space<hbm>>
      tpu.enqueue_dma source(%dma_start3A_57 : memref<40x128xi32, #tpu.memory_space<hbm>>) target(%arg7 : memref<40x128xi32, #tpu.memory_space<vmem>>) target_semaphore(%run_scoped3A : memref<!tpu.dma_semaphore, #tpu.memory_space<semaphore_mem>>)
      %dma_wait3A = arith.constant 0 : i32
      %dma_wait3A_58 = arith.constant 0 : i32
      %dma_wait3A_59 = tpu.memref_slice %arg3[%add3A, %dma_wait3A, %dma_wait3A_58] : memref<32x80x128xi32, #tpu.memory_space<hbm>> -> memref<1x40x128xi32, #tpu.memory_space<hbm>>
      %dma_wait3A_60 = tpu.memref_squeeze %dma_wait3A_59 : memref<1x40x128xi32, #tpu.memory_space<hbm>> -> memref<40x128xi32, #tpu.memory_space<hbm>>
      %dma_wait3A_61 = arith.constant 0 : i32
      %dma_wait3A_62 = arith.constant 0 : i32
      %dma_wait3A_63 = tpu.memref_slice %arg3[%add3A, %dma_wait3A_61, %dma_wait3A_62] : memref<32x80x128xi32, #tpu.memory_space<hbm>> -> memref<1x40x128xi32, #tpu.memory_space<hbm>>
      %dma_wait3A_64 = tpu.memref_squeeze %dma_wait3A_63 : memref<1x40x128xi32, #tpu.memory_space<hbm>> -> memref<40x128xi32, #tpu.memory_space<hbm>>
      tpu.wait_dma2 semaphore(%run_scoped3A : memref<!tpu.dma_semaphore, #tpu.memory_space<semaphore_mem>>) src(%dma_wait3A_64 : memref<40x128xi32, #tpu.memory_space<hbm>>) dst(%arg7 : memref<40x128xi32, #tpu.memory_space<vmem>>)
      tpu.yield
    }) : () -> ()
    "tpu.region"() ({
      %run_scoped3A = tpu.sem_alloc : memref<!tpu.dma_semaphore, #tpu.memory_space<semaphore_mem>>
      %dma_start3A_50 = arith.constant 0 : i32
      %dma_start3A_51 = arith.constant 0 : i32
      %dma_start3A_52 = tpu.memref_slice %arg4[%add3A, %dma_start3A_50, %dma_start3A_51] : memref<32x80x128xi32, #tpu.memory_space<hbm>> -> memref<1x40x128xi32, #tpu.memory_space<hbm>>
      %dma_start3A_53 = tpu.memref_squeeze %dma_start3A_52 : memref<1x40x128xi32, #tpu.memory_space<hbm>> -> memref<40x128xi32, #tpu.memory_space<hbm>>
      %dma_start3A_54 = arith.constant 0 : i32
      %dma_start3A_55 = arith.constant 0 : i32
      %dma_start3A_56 = tpu.memref_slice %arg4[%add3A, %dma_start3A_54, %dma_start3A_55] : memref<32x80x128xi32, #tpu.memory_space<hbm>> -> memref<1x40x128xi32, #tpu.memory_space<hbm>>
      %dma_start3A_57 = tpu.memref_squeeze %dma_start3A_56 : memref<1x40x128xi32, #tpu.memory_space<hbm>> -> memref<40x128xi32, #tpu.memory_space<hbm>>
      tpu.enqueue_dma source(%dma_start3A_57 : memref<40x128xi32, #tpu.memory_space<hbm>>) target(%arg8 : memref<40x128xi32, #tpu.memory_space<vmem>>) target_semaphore(%run_scoped3A : memref<!tpu.dma_semaphore, #tpu.memory_space<semaphore_mem>>)
      %dma_wait3A = arith.constant 0 : i32
      %dma_wait3A_58 = arith.constant 0 : i32
      %dma_wait3A_59 = tpu.memref_slice %arg4[%add3A, %dma_wait3A, %dma_wait3A_58] : memref<32x80x128xi32, #tpu.memory_space<hbm>> -> memref<1x40x128xi32, #tpu.memory_space<hbm>>
      %dma_wait3A_60 = tpu.memref_squeeze %dma_wait3A_59 : memref<1x40x128xi32, #tpu.memory_space<hbm>> -> memref<40x128xi32, #tpu.memory_space<hbm>>
      %dma_wait3A_61 = arith.constant 0 : i32
      %dma_wait3A_62 = arith.constant 0 : i32
      %dma_wait3A_63 = tpu.memref_slice %arg4[%add3A, %dma_wait3A_61, %dma_wait3A_62] : memref<32x80x128xi32, #tpu.memory_space<hbm>> -> memref<1x40x128xi32, #tpu.memory_space<hbm>>
      %dma_wait3A_64 = tpu.memref_squeeze %dma_wait3A_63 : memref<1x40x128xi32, #tpu.memory_space<hbm>> -> memref<40x128xi32, #tpu.memory_space<hbm>>
      tpu.wait_dma2 semaphore(%run_scoped3A : memref<!tpu.dma_semaphore, #tpu.memory_space<semaphore_mem>>) src(%dma_wait3A_64 : memref<40x128xi32, #tpu.memory_space<hbm>>) dst(%arg8 : memref<40x128xi32, #tpu.memory_space<vmem>>)
      tpu.yield
    }) : () -> ()
    %dma_start3A = arith.constant 0 : i32
    %dma_start3A_13 = arith.constant 0 : i32
    %dma_start3A_14 = tpu.memref_slice %arg7[%dma_start3A, %dma_start3A_13] : memref<40x128xi32, #tpu.memory_space<vmem>> -> memref<1x128xi32, #tpu.memory_space<vmem>>
    %dma_start3A_15 = tpu.memref_squeeze %dma_start3A_14 : memref<1x128xi32, #tpu.memory_space<vmem>> -> memref<128xi32, #tpu.memory_space<vmem>>
    %dma_start3A_16 = arith.constant 0 : i32
    %dma_start3A_17 = arith.constant 0 : i32
    %dma_start3A_18 = tpu.memref_slice %arg2[%dma_start3A_16, %dma_start3A_17] : memref<10240x48xf32, #tpu.memory_space<hbm>> -> memref<10240x48xf32, #tpu.memory_space<hbm>>
    tpu.enqueue_indirect_dma source(%dma_start3A_18 : memref<10240x48xf32, #tpu.memory_space<hbm>>) target(%arg9 : memref<128x48xf32, #tpu.memory_space<vmem>>) offsets(%dma_start3A_15 : memref<128xi32, #tpu.memory_space<vmem>>) semaphore(%arg12 : memref<!tpu.dma_semaphore, #tpu.memory_space<semaphore_mem>>)
    %dma_start3A_19 = arith.constant 1 : i32
    %dma_start3A_20 = arith.constant 0 : i32
    %dma_start3A_21 = tpu.memref_slice %arg7[%dma_start3A_19, %dma_start3A_20] : memref<40x128xi32, #tpu.memory_space<vmem>> -> memref<1x128xi32, #tpu.memory_space<vmem>>
    %dma_start3A_22 = tpu.memref_squeeze %dma_start3A_21 : memref<1x128xi32, #tpu.memory_space<vmem>> -> memref<128xi32, #tpu.memory_space<vmem>>
    %dma_start3A_23 = arith.constant 0 : i32
    %dma_start3A_24 = arith.constant 0 : i32
    %dma_start3A_25 = tpu.memref_slice %arg2[%dma_start3A_23, %dma_start3A_24] : memref<10240x48xf32, #tpu.memory_space<hbm>> -> memref<10240x48xf32, #tpu.memory_space<hbm>>
    tpu.enqueue_indirect_dma source(%dma_start3A_25 : memref<10240x48xf32, #tpu.memory_space<hbm>>) target(%arg10 : memref<128x48xf32, #tpu.memory_space<vmem>>) offsets(%dma_start3A_22 : memref<128xi32, #tpu.memory_space<vmem>>) semaphore(%arg13 : memref<!tpu.dma_semaphore, #tpu.memory_space<semaphore_mem>>)
    %scan3A = arith.constant 0 : i32
    %scan3A_26 = arith.constant 20 : i32
    %scan3A_27 = arith.addi %scan3A, %scan3A_26 : i32
    %scan3A_28 = arith.constant 1 : i32
    scf.for %scan3A_50 = %scan3A to %scan3A_27 step %scan3A_28  : i32 {
      %mul3A_51 = arith.constant 2 : i32
      %mul3A_52 = arith.muli %scan3A_50, %mul3A_51 : i32
      %add3A_53 = arith.constant 0 : i32
      %add3A_54 = arith.addi %add3A_53, %mul3A_52 : i32
      %add3A_55 = arith.constant 0 : i32
      %add3A_56 = arith.addi %add3A_54, %add3A_55 : i32
      %dma_wait3A = arith.constant 0 : i32
      %dma_wait3A_57 = tpu.memref_slice %arg7[%add3A_56, %dma_wait3A] : memref<40x128xi32, #tpu.memory_space<vmem>> -> memref<1x128xi32, #tpu.memory_space<vmem>>
      %dma_wait3A_58 = tpu.memref_squeeze %dma_wait3A_57 : memref<1x128xi32, #tpu.memory_space<vmem>> -> memref<128xi32, #tpu.memory_space<vmem>>
      %dma_wait3A_59 = arith.constant 0 : i32
      %dma_wait3A_60 = arith.constant 0 : i32
      %dma_wait3A_61 = tpu.memref_slice %arg2[%dma_wait3A_59, %dma_wait3A_60] : memref<10240x48xf32, #tpu.memory_space<hbm>> -> memref<10240x48xf32, #tpu.memory_space<hbm>>
      tpu.wait_indirect_dma semaphore(%arg12 : memref<!tpu.dma_semaphore, #tpu.memory_space<semaphore_mem>>) src(%dma_wait3A_61 : memref<10240x48xf32, #tpu.memory_space<hbm>>) dst(%arg9 : memref<128x48xf32, #tpu.memory_space<vmem>>)
      %add3A_62 = arith.constant 0 : i32
      %add3A_63 = arith.addi %add3A_54, %add3A_62 : i32
      "tpu.region"() ({
        %run_scoped3A = tpu.sem_alloc : memref<!tpu.dma_semaphore, #tpu.memory_space<semaphore_mem>>
        %dma_start3A_89 = arith.constant 0 : i32
        %dma_start3A_90 = tpu.memref_slice %arg8[%add3A_63, %dma_start3A_89] : memref<40x128xi32, #tpu.memory_space<vmem>> -> memref<1x128xi32, #tpu.memory_space<vmem>>
        %dma_start3A_91 = tpu.memref_squeeze %dma_start3A_90 : memref<1x128xi32, #tpu.memory_space<vmem>> -> memref<128xi32, #tpu.memory_space<vmem>>
        %dma_start3A_92 = arith.constant 0 : i32
        %dma_start3A_93 = arith.constant 0 : i32
        %dma_start3A_94 = tpu.memref_slice %arg11[%dma_start3A_92, %dma_start3A_93] : memref<10240x48xf32, #tpu.memory_space<vmem_shared>> -> memref<10240x48xf32, #tpu.memory_space<vmem_shared>>
        tpu.enqueue_indirect_dma source(%arg9 : memref<128x48xf32, #tpu.memory_space<vmem>>) target(%dma_start3A_94 : memref<10240x48xf32, #tpu.memory_space<vmem_shared>>) offsets(%dma_start3A_91 : memref<128xi32, #tpu.memory_space<vmem>>) semaphore(%run_scoped3A : memref<!tpu.dma_semaphore, #tpu.memory_space<semaphore_mem>>) {add = true}
        %dma_wait3A_95 = arith.constant 0 : i32
        %dma_wait3A_96 = tpu.memref_slice %arg8[%add3A_63, %dma_wait3A_95] : memref<40x128xi32, #tpu.memory_space<vmem>> -> memref<1x128xi32, #tpu.memory_space<vmem>>
        %dma_wait3A_97 = tpu.memref_squeeze %dma_wait3A_96 : memref<1x128xi32, #tpu.memory_space<vmem>> -> memref<128xi32, #tpu.memory_space<vmem>>
        %dma_wait3A_98 = arith.constant 0 : i32
        %dma_wait3A_99 = arith.constant 0 : i32
        %dma_wait3A_100 = tpu.memref_slice %arg11[%dma_wait3A_98, %dma_wait3A_99] : memref<10240x48xf32, #tpu.memory_space<vmem_shared>> -> memref<10240x48xf32, #tpu.memory_space<vmem_shared>>
        tpu.wait_indirect_dma semaphore(%run_scoped3A : memref<!tpu.dma_semaphore, #tpu.memory_space<semaphore_mem>>) src(%arg9 : memref<128x48xf32, #tpu.memory_space<vmem>>) dst(%dma_wait3A_100 : memref<10240x48xf32, #tpu.memory_space<vmem_shared>>)
        tpu.yield
      }) : () -> ()
      %add3A_64 = arith.constant 0 : i32
      %add3A_65 = arith.addi %add3A_54, %add3A_64 : i32
      %add3A_66 = arith.constant 2 : i32
      %add3A_67 = arith.addi %add3A_65, %add3A_66 : i32
      %lt3A = arith.constant 40 : i32
      %lt3A_68 = arith.cmpi slt, %add3A_67, %lt3A : i32
      %convert_element_type3A = arith.extui %lt3A_68 : i1 to i32
      %cond3A = arith.constant 0 : i32
      %cond3A_69 = arith.cmpi ne, %convert_element_type3A, %cond3A : i32
      scf.if %cond3A_69 {
        %add3A_89 = arith.constant 0 : i32
        %add3A_90 = arith.addi %add3A_54, %add3A_89 : i32
        %add3A_91 = arith.constant 2 : i32
        %add3A_92 = arith.addi %add3A_90, %add3A_91 : i32
        %dma_start3A_93 = arith.constant 0 : i32
        %dma_start3A_94 = tpu.memref_slice %arg7[%add3A_92, %dma_start3A_93] : memref<40x128xi32, #tpu.memory_space<vmem>> -> memref<1x128xi32, #tpu.memory_space<vmem>>
        %dma_start3A_95 = tpu.memref_squeeze %dma_start3A_94 : memref<1x128xi32, #tpu.memory_space<vmem>> -> memref<128xi32, #tpu.memory_space<vmem>>
        %dma_start3A_96 = arith.constant 0 : i32
        %dma_start3A_97 = arith.constant 0 : i32
        %dma_start3A_98 = tpu.memref_slice %arg2[%dma_start3A_96, %dma_start3A_97] : memref<10240x48xf32, #tpu.memory_space<hbm>> -> memref<10240x48xf32, #tpu.memory_space<hbm>>
        tpu.enqueue_indirect_dma source(%dma_start3A_98 : memref<10240x48xf32, #tpu.memory_space<hbm>>) target(%arg9 : memref<128x48xf32, #tpu.memory_space<vmem>>) offsets(%dma_start3A_95 : memref<128xi32, #tpu.memory_space<vmem>>) semaphore(%arg12 : memref<!tpu.dma_semaphore, #tpu.memory_space<semaphore_mem>>)
      } else {
      }
      %add3A_70 = arith.constant 1 : i32
      %add3A_71 = arith.addi %add3A_54, %add3A_70 : i32
      %dma_wait3A_72 = arith.constant 0 : i32
      %dma_wait3A_73 = tpu.memref_slice %arg7[%add3A_71, %dma_wait3A_72] : memref<40x128xi32, #tpu.memory_space<vmem>> -> memref<1x128xi32, #tpu.memory_space<vmem>>
      %dma_wait3A_74 = tpu.memref_squeeze %dma_wait3A_73 : memref<1x128xi32, #tpu.memory_space<vmem>> -> memref<128xi32, #tpu.memory_space<vmem>>
      %dma_wait3A_75 = arith.constant 0 : i32
      %dma_wait3A_76 = arith.constant 0 : i32
      %dma_wait3A_77 = tpu.memref_slice %arg2[%dma_wait3A_75, %dma_wait3A_76] : memref<10240x48xf32, #tpu.memory_space<hbm>> -> memref<10240x48xf32, #tpu.memory_space<hbm>>
      tpu.wait_indirect_dma semaphore(%arg13 : memref<!tpu.dma_semaphore, #tpu.memory_space<semaphore_mem>>) src(%dma_wait3A_77 : memref<10240x48xf32, #tpu.memory_space<hbm>>) dst(%arg10 : memref<128x48xf32, #tpu.memory_space<vmem>>)
      %add3A_78 = arith.constant 1 : i32
      %add3A_79 = arith.addi %add3A_54, %add3A_78 : i32
      "tpu.region"() ({
        %run_scoped3A = tpu.sem_alloc : memref<!tpu.dma_semaphore, #tpu.memory_space<semaphore_mem>>
        %dma_start3A_89 = arith.constant 0 : i32
        %dma_start3A_90 = tpu.memref_slice %arg8[%add3A_79, %dma_start3A_89] : memref<40x128xi32, #tpu.memory_space<vmem>> -> memref<1x128xi32, #tpu.memory_space<vmem>>
        %dma_start3A_91 = tpu.memref_squeeze %dma_start3A_90 : memref<1x128xi32, #tpu.memory_space<vmem>> -> memref<128xi32, #tpu.memory_space<vmem>>
        %dma_start3A_92 = arith.constant 0 : i32
        %dma_start3A_93 = arith.constant 0 : i32
        %dma_start3A_94 = tpu.memref_slice %arg11[%dma_start3A_92, %dma_start3A_93] : memref<10240x48xf32, #tpu.memory_space<vmem_shared>> -> memref<10240x48xf32, #tpu.memory_space<vmem_shared>>
        tpu.enqueue_indirect_dma source(%arg10 : memref<128x48xf32, #tpu.memory_space<vmem>>) target(%dma_start3A_94 : memref<10240x48xf32, #tpu.memory_space<vmem_shared>>) offsets(%dma_start3A_91 : memref<128xi32, #tpu.memory_space<vmem>>) semaphore(%run_scoped3A : memref<!tpu.dma_semaphore, #tpu.memory_space<semaphore_mem>>) {add = true}
        %dma_wait3A_95 = arith.constant 0 : i32
        %dma_wait3A_96 = tpu.memref_slice %arg8[%add3A_79, %dma_wait3A_95] : memref<40x128xi32, #tpu.memory_space<vmem>> -> memref<1x128xi32, #tpu.memory_space<vmem>>
        %dma_wait3A_97 = tpu.memref_squeeze %dma_wait3A_96 : memref<1x128xi32, #tpu.memory_space<vmem>> -> memref<128xi32, #tpu.memory_space<vmem>>
        %dma_wait3A_98 = arith.constant 0 : i32
        %dma_wait3A_99 = arith.constant 0 : i32
        %dma_wait3A_100 = tpu.memref_slice %arg11[%dma_wait3A_98, %dma_wait3A_99] : memref<10240x48xf32, #tpu.memory_space<vmem_shared>> -> memref<10240x48xf32, #tpu.memory_space<vmem_shared>>
        tpu.wait_indirect_dma semaphore(%run_scoped3A : memref<!tpu.dma_semaphore, #tpu.memory_space<semaphore_mem>>) src(%arg10 : memref<128x48xf32, #tpu.memory_space<vmem>>) dst(%dma_wait3A_100 : memref<10240x48xf32, #tpu.memory_space<vmem_shared>>)
        tpu.yield
      }) : () -> ()
      %add3A_80 = arith.constant 1 : i32
      %add3A_81 = arith.addi %add3A_54, %add3A_80 : i32
      %add3A_82 = arith.constant 2 : i32
      %add3A_83 = arith.addi %add3A_81, %add3A_82 : i32
      %lt3A_84 = arith.constant 40 : i32
      %lt3A_85 = arith.cmpi slt, %add3A_83, %lt3A_84 : i32
      %convert_element_type3A_86 = arith.extui %lt3A_85 : i1 to i32
      %cond3A_87 = arith.constant 0 : i32
      %cond3A_88 = arith.cmpi ne, %convert_element_type3A_86, %cond3A_87 : i32
      scf.if %cond3A_88 {
        %add3A_89 = arith.constant 1 : i32
        %add3A_90 = arith.addi %add3A_54, %add3A_89 : i32
        %add3A_91 = arith.constant 2 : i32
        %add3A_92 = arith.addi %add3A_90, %add3A_91 : i32
        %dma_start3A_93 = arith.constant 0 : i32
        %dma_start3A_94 = tpu.memref_slice %arg7[%add3A_92, %dma_start3A_93] : memref<40x128xi32, #tpu.memory_space<vmem>> -> memref<1x128xi32, #tpu.memory_space<vmem>>
        %dma_start3A_95 = tpu.memref_squeeze %dma_start3A_94 : memref<1x128xi32, #tpu.memory_space<vmem>> -> memref<128xi32, #tpu.memory_space<vmem>>
        %dma_start3A_96 = arith.constant 0 : i32
        %dma_start3A_97 = arith.constant 0 : i32
        %dma_start3A_98 = tpu.memref_slice %arg2[%dma_start3A_96, %dma_start3A_97] : memref<10240x48xf32, #tpu.memory_space<hbm>> -> memref<10240x48xf32, #tpu.memory_space<hbm>>
        tpu.enqueue_indirect_dma source(%dma_start3A_98 : memref<10240x48xf32, #tpu.memory_space<hbm>>) target(%arg10 : memref<128x48xf32, #tpu.memory_space<vmem>>) offsets(%dma_start3A_95 : memref<128xi32, #tpu.memory_space<vmem>>) semaphore(%arg13 : memref<!tpu.dma_semaphore, #tpu.memory_space<semaphore_mem>>)
      } else {
      }
    }
    %scan3A_29 = arith.constant 20 : i32
    "tpu.region"() ({
      %run_scoped3A = tpu.sem_alloc : memref<!tpu.dma_semaphore, #tpu.memory_space<semaphore_mem>>
      %dma_start3A_50 = arith.constant 40 : i32
      %dma_start3A_51 = arith.constant 0 : i32
      %dma_start3A_52 = tpu.memref_slice %arg3[%add3A, %dma_start3A_50, %dma_start3A_51] : memref<32x80x128xi32, #tpu.memory_space<hbm>> -> memref<1x40x128xi32, #tpu.memory_space<hbm>>
      %dma_start3A_53 = tpu.memref_squeeze %dma_start3A_52 : memref<1x40x128xi32, #tpu.memory_space<hbm>> -> memref<40x128xi32, #tpu.memory_space<hbm>>
      %dma_start3A_54 = arith.constant 40 : i32
      %dma_start3A_55 = arith.constant 0 : i32
      %dma_start3A_56 = tpu.memref_slice %arg3[%add3A, %dma_start3A_54, %dma_start3A_55] : memref<32x80x128xi32, #tpu.memory_space<hbm>> -> memref<1x40x128xi32, #tpu.memory_space<hbm>>
      %dma_start3A_57 = tpu.memref_squeeze %dma_start3A_56 : memref<1x40x128xi32, #tpu.memory_space<hbm>> -> memref<40x128xi32, #tpu.memory_space<hbm>>
      tpu.enqueue_dma source(%dma_start3A_57 : memref<40x128xi32, #tpu.memory_space<hbm>>) target(%arg7 : memref<40x128xi32, #tpu.memory_space<vmem>>) target_semaphore(%run_scoped3A : memref<!tpu.dma_semaphore, #tpu.memory_space<semaphore_mem>>)
      %dma_wait3A = arith.constant 40 : i32
      %dma_wait3A_58 = arith.constant 0 : i32
      %dma_wait3A_59 = tpu.memref_slice %arg3[%add3A, %dma_wait3A, %dma_wait3A_58] : memref<32x80x128xi32, #tpu.memory_space<hbm>> -> memref<1x40x128xi32, #tpu.memory_space<hbm>>
      %dma_wait3A_60 = tpu.memref_squeeze %dma_wait3A_59 : memref<1x40x128xi32, #tpu.memory_space<hbm>> -> memref<40x128xi32, #tpu.memory_space<hbm>>
      %dma_wait3A_61 = arith.constant 40 : i32
      %dma_wait3A_62 = arith.constant 0 : i32
      %dma_wait3A_63 = tpu.memref_slice %arg3[%add3A, %dma_wait3A_61, %dma_wait3A_62] : memref<32x80x128xi32, #tpu.memory_space<hbm>> -> memref<1x40x128xi32, #tpu.memory_space<hbm>>
      %dma_wait3A_64 = tpu.memref_squeeze %dma_wait3A_63 : memref<1x40x128xi32, #tpu.memory_space<hbm>> -> memref<40x128xi32, #tpu.memory_space<hbm>>
      tpu.wait_dma2 semaphore(%run_scoped3A : memref<!tpu.dma_semaphore, #tpu.memory_space<semaphore_mem>>) src(%dma_wait3A_64 : memref<40x128xi32, #tpu.memory_space<hbm>>) dst(%arg7 : memref<40x128xi32, #tpu.memory_space<vmem>>)
      tpu.yield
    }) : () -> ()
    "tpu.region"() ({
      %run_scoped3A = tpu.sem_alloc : memref<!tpu.dma_semaphore, #tpu.memory_space<semaphore_mem>>
      %dma_start3A_50 = arith.constant 40 : i32
      %dma_start3A_51 = arith.constant 0 : i32
      %dma_start3A_52 = tpu.memref_slice %arg4[%add3A, %dma_start3A_50, %dma_start3A_51] : memref<32x80x128xi32, #tpu.memory_space<hbm>> -> memref<1x40x128xi32, #tpu.memory_space<hbm>>
      %dma_start3A_53 = tpu.memref_squeeze %dma_start3A_52 : memref<1x40x128xi32, #tpu.memory_space<hbm>> -> memref<40x128xi32, #tpu.memory_space<hbm>>
      %dma_start3A_54 = arith.constant 40 : i32
      %dma_start3A_55 = arith.constant 0 : i32
      %dma_start3A_56 = tpu.memref_slice %arg4[%add3A, %dma_start3A_54, %dma_start3A_55] : memref<32x80x128xi32, #tpu.memory_space<hbm>> -> memref<1x40x128xi32, #tpu.memory_space<hbm>>
      %dma_start3A_57 = tpu.memref_squeeze %dma_start3A_56 : memref<1x40x128xi32, #tpu.memory_space<hbm>> -> memref<40x128xi32, #tpu.memory_space<hbm>>
      tpu.enqueue_dma source(%dma_start3A_57 : memref<40x128xi32, #tpu.memory_space<hbm>>) target(%arg8 : memref<40x128xi32, #tpu.memory_space<vmem>>) target_semaphore(%run_scoped3A : memref<!tpu.dma_semaphore, #tpu.memory_space<semaphore_mem>>)
      %dma_wait3A = arith.constant 40 : i32
      %dma_wait3A_58 = arith.constant 0 : i32
      %dma_wait3A_59 = tpu.memref_slice %arg4[%add3A, %dma_wait3A, %dma_wait3A_58] : memref<32x80x128xi32, #tpu.memory_space<hbm>> -> memref<1x40x128xi32, #tpu.memory_space<hbm>>
      %dma_wait3A_60 = tpu.memref_squeeze %dma_wait3A_59 : memref<1x40x128xi32, #tpu.memory_space<hbm>> -> memref<40x128xi32, #tpu.memory_space<hbm>>
      %dma_wait3A_61 = arith.constant 40 : i32
      %dma_wait3A_62 = arith.constant 0 : i32
      %dma_wait3A_63 = tpu.memref_slice %arg4[%add3A, %dma_wait3A_61, %dma_wait3A_62] : memref<32x80x128xi32, #tpu.memory_space<hbm>> -> memref<1x40x128xi32, #tpu.memory_space<hbm>>
      %dma_wait3A_64 = tpu.memref_squeeze %dma_wait3A_63 : memref<1x40x128xi32, #tpu.memory_space<hbm>> -> memref<40x128xi32, #tpu.memory_space<hbm>>
      tpu.wait_dma2 semaphore(%run_scoped3A : memref<!tpu.dma_semaphore, #tpu.memory_space<semaphore_mem>>) src(%dma_wait3A_64 : memref<40x128xi32, #tpu.memory_space<hbm>>) dst(%arg8 : memref<40x128xi32, #tpu.memory_space<vmem>>)
      tpu.yield
    }) : () -> ()
    %dma_start3A_30 = arith.constant 0 : i32
    %dma_start3A_31 = arith.constant 0 : i32
    %dma_start3A_32 = tpu.memref_slice %arg7[%dma_start3A_30, %dma_start3A_31] : memref<40x128xi32, #tpu.memory_space<vmem>> -> memref<1x128xi32, #tpu.memory_space<vmem>>
    %dma_start3A_33 = tpu.memref_squeeze %dma_start3A_32 : memref<1x128xi32, #tpu.memory_space<vmem>> -> memref<128xi32, #tpu.memory_space<vmem>>
    %dma_start3A_34 = arith.constant 0 : i32
    %dma_start3A_35 = arith.constant 0 : i32
    %dma_start3A_36 = tpu.memref_slice %arg2[%dma_start3A_34, %dma_start3A_35] : memref<10240x48xf32, #tpu.memory_space<hbm>> -> memref<10240x48xf32, #tpu.memory_space<hbm>>
    tpu.enqueue_indirect_dma source(%dma_start3A_36 : memref<10240x48xf32, #tpu.memory_space<hbm>>) target(%arg9 : memref<128x48xf32, #tpu.memory_space<vmem>>) offsets(%dma_start3A_33 : memref<128xi32, #tpu.memory_space<vmem>>) semaphore(%arg12 : memref<!tpu.dma_semaphore, #tpu.memory_space<semaphore_mem>>)
    %dma_start3A_37 = arith.constant 1 : i32
    %dma_start3A_38 = arith.constant 0 : i32
    %dma_start3A_39 = tpu.memref_slice %arg7[%dma_start3A_37, %dma_start3A_38] : memref<40x128xi32, #tpu.memory_space<vmem>> -> memref<1x128xi32, #tpu.memory_space<vmem>>
    %dma_start3A_40 = tpu.memref_squeeze %dma_start3A_39 : memref<1x128xi32, #tpu.memory_space<vmem>> -> memref<128xi32, #tpu.memory_space<vmem>>
    %dma_start3A_41 = arith.constant 0 : i32
    %dma_start3A_42 = arith.constant 0 : i32
    %dma_start3A_43 = tpu.memref_slice %arg2[%dma_start3A_41, %dma_start3A_42] : memref<10240x48xf32, #tpu.memory_space<hbm>> -> memref<10240x48xf32, #tpu.memory_space<hbm>>
    tpu.enqueue_indirect_dma source(%dma_start3A_43 : memref<10240x48xf32, #tpu.memory_space<hbm>>) target(%arg10 : memref<128x48xf32, #tpu.memory_space<vmem>>) offsets(%dma_start3A_40 : memref<128xi32, #tpu.memory_space<vmem>>) semaphore(%arg13 : memref<!tpu.dma_semaphore, #tpu.memory_space<semaphore_mem>>)
    %scan3A_44 = arith.constant 0 : i32
    %scan3A_45 = arith.constant 20 : i32
    %scan3A_46 = arith.addi %scan3A_44, %scan3A_45 : i32
    %scan3A_47 = arith.constant 1 : i32
    scf.for %scan3A_50 = %scan3A_44 to %scan3A_46 step %scan3A_47  : i32 {
      %mul3A_51 = arith.constant 2 : i32
      %mul3A_52 = arith.muli %scan3A_50, %mul3A_51 : i32
      %add3A_53 = arith.constant 0 : i32
      %add3A_54 = arith.addi %add3A_53, %mul3A_52 : i32
      %add3A_55 = arith.constant 0 : i32
      %add3A_56 = arith.addi %add3A_54, %add3A_55 : i32
      %dma_wait3A = arith.constant 0 : i32
      %dma_wait3A_57 = tpu.memref_slice %arg7[%add3A_56, %dma_wait3A] : memref<40x128xi32, #tpu.memory_space<vmem>> -> memref<1x128xi32, #tpu.memory_space<vmem>>
      %dma_wait3A_58 = tpu.memref_squeeze %dma_wait3A_57 : memref<1x128xi32, #tpu.memory_space<vmem>> -> memref<128xi32, #tpu.memory_space<vmem>>
      %dma_wait3A_59 = arith.constant 0 : i32
      %dma_wait3A_60 = arith.constant 0 : i32
      %dma_wait3A_61 = tpu.memref_slice %arg2[%dma_wait3A_59, %dma_wait3A_60] : memref<10240x48xf32, #tpu.memory_space<hbm>> -> memref<10240x48xf32, #tpu.memory_space<hbm>>
      tpu.wait_indirect_dma semaphore(%arg12 : memref<!tpu.dma_semaphore, #tpu.memory_space<semaphore_mem>>) src(%dma_wait3A_61 : memref<10240x48xf32, #tpu.memory_space<hbm>>) dst(%arg9 : memref<128x48xf32, #tpu.memory_space<vmem>>)
      %add3A_62 = arith.constant 0 : i32
      %add3A_63 = arith.addi %add3A_54, %add3A_62 : i32
      "tpu.region"() ({
        %run_scoped3A = tpu.sem_alloc : memref<!tpu.dma_semaphore, #tpu.memory_space<semaphore_mem>>
        %dma_start3A_89 = arith.constant 0 : i32
        %dma_start3A_90 = tpu.memref_slice %arg8[%add3A_63, %dma_start3A_89] : memref<40x128xi32, #tpu.memory_space<vmem>> -> memref<1x128xi32, #tpu.memory_space<vmem>>
        %dma_start3A_91 = tpu.memref_squeeze %dma_start3A_90 : memref<1x128xi32, #tpu.memory_space<vmem>> -> memref<128xi32, #tpu.memory_space<vmem>>
        %dma_start3A_92 = arith.constant 0 : i32
        %dma_start3A_93 = arith.constant 0 : i32
        %dma_start3A_94 = tpu.memref_slice %arg11[%dma_start3A_92, %dma_start3A_93] : memref<10240x48xf32, #tpu.memory_space<vmem_shared>> -> memref<10240x48xf32, #tpu.memory_space<vmem_shared>>
        tpu.enqueue_indirect_dma source(%arg9 : memref<128x48xf32, #tpu.memory_space<vmem>>) target(%dma_start3A_94 : memref<10240x48xf32, #tpu.memory_space<vmem_shared>>) offsets(%dma_start3A_91 : memref<128xi32, #tpu.memory_space<vmem>>) semaphore(%run_scoped3A : memref<!tpu.dma_semaphore, #tpu.memory_space<semaphore_mem>>) {add = true}
        %dma_wait3A_95 = arith.constant 0 : i32
        %dma_wait3A_96 = tpu.memref_slice %arg8[%add3A_63, %dma_wait3A_95] : memref<40x128xi32, #tpu.memory_space<vmem>> -> memref<1x128xi32, #tpu.memory_space<vmem>>
        %dma_wait3A_97 = tpu.memref_squeeze %dma_wait3A_96 : memref<1x128xi32, #tpu.memory_space<vmem>> -> memref<128xi32, #tpu.memory_space<vmem>>
        %dma_wait3A_98 = arith.constant 0 : i32
        %dma_wait3A_99 = arith.constant 0 : i32
        %dma_wait3A_100 = tpu.memref_slice %arg11[%dma_wait3A_98, %dma_wait3A_99] : memref<10240x48xf32, #tpu.memory_space<vmem_shared>> -> memref<10240x48xf32, #tpu.memory_space<vmem_shared>>
        tpu.wait_indirect_dma semaphore(%run_scoped3A : memref<!tpu.dma_semaphore, #tpu.memory_space<semaphore_mem>>) src(%arg9 : memref<128x48xf32, #tpu.memory_space<vmem>>) dst(%dma_wait3A_100 : memref<10240x48xf32, #tpu.memory_space<vmem_shared>>)
        tpu.yield
      }) : () -> ()
      %add3A_64 = arith.constant 0 : i32
      %add3A_65 = arith.addi %add3A_54, %add3A_64 : i32
      %add3A_66 = arith.constant 2 : i32
      %add3A_67 = arith.addi %add3A_65, %add3A_66 : i32
      %lt3A = arith.constant 40 : i32
      %lt3A_68 = arith.cmpi slt, %add3A_67, %lt3A : i32
      %convert_element_type3A = arith.extui %lt3A_68 : i1 to i32
      %cond3A = arith.constant 0 : i32
      %cond3A_69 = arith.cmpi ne, %convert_element_type3A, %cond3A : i32
      scf.if %cond3A_69 {
        %add3A_89 = arith.constant 0 : i32
        %add3A_90 = arith.addi %add3A_54, %add3A_89 : i32
        %add3A_91 = arith.constant 2 : i32
        %add3A_92 = arith.addi %add3A_90, %add3A_91 : i32
        %dma_start3A_93 = arith.constant 0 : i32
        %dma_start3A_94 = tpu.memref_slice %arg7[%add3A_92, %dma_start3A_93] : memref<40x128xi32, #tpu.memory_space<vmem>> -> memref<1x128xi32, #tpu.memory_space<vmem>>
        %dma_start3A_95 = tpu.memref_squeeze %dma_start3A_94 : memref<1x128xi32, #tpu.memory_space<vmem>> -> memref<128xi32, #tpu.memory_space<vmem>>
        %dma_start3A_96 = arith.constant 0 : i32
        %dma_start3A_97 = arith.constant 0 : i32
        %dma_start3A_98 = tpu.memref_slice %arg2[%dma_start3A_96, %dma_start3A_97] : memref<10240x48xf32, #tpu.memory_space<hbm>> -> memref<10240x48xf32, #tpu.memory_space<hbm>>
        tpu.enqueue_indirect_dma source(%dma_start3A_98 : memref<10240x48xf32, #tpu.memory_space<hbm>>) target(%arg9 : memref<128x48xf32, #tpu.memory_space<vmem>>) offsets(%dma_start3A_95 : memref<128xi32, #tpu.memory_space<vmem>>) semaphore(%arg12 : memref<!tpu.dma_semaphore, #tpu.memory_space<semaphore_mem>>)
      } else {
      }
      %add3A_70 = arith.constant 1 : i32
      %add3A_71 = arith.addi %add3A_54, %add3A_70 : i32
      %dma_wait3A_72 = arith.constant 0 : i32
      %dma_wait3A_73 = tpu.memref_slice %arg7[%add3A_71, %dma_wait3A_72] : memref<40x128xi32, #tpu.memory_space<vmem>> -> memref<1x128xi32, #tpu.memory_space<vmem>>
      %dma_wait3A_74 = tpu.memref_squeeze %dma_wait3A_73 : memref<1x128xi32, #tpu.memory_space<vmem>> -> memref<128xi32, #tpu.memory_space<vmem>>
      %dma_wait3A_75 = arith.constant 0 : i32
      %dma_wait3A_76 = arith.constant 0 : i32
      %dma_wait3A_77 = tpu.memref_slice %arg2[%dma_wait3A_75, %dma_wait3A_76] : memref<10240x48xf32, #tpu.memory_space<hbm>> -> memref<10240x48xf32, #tpu.memory_space<hbm>>
      tpu.wait_indirect_dma semaphore(%arg13 : memref<!tpu.dma_semaphore, #tpu.memory_space<semaphore_mem>>) src(%dma_wait3A_77 : memref<10240x48xf32, #tpu.memory_space<hbm>>) dst(%arg10 : memref<128x48xf32, #tpu.memory_space<vmem>>)
      %add3A_78 = arith.constant 1 : i32
      %add3A_79 = arith.addi %add3A_54, %add3A_78 : i32
      "tpu.region"() ({
        %run_scoped3A = tpu.sem_alloc : memref<!tpu.dma_semaphore, #tpu.memory_space<semaphore_mem>>
        %dma_start3A_89 = arith.constant 0 : i32
        %dma_start3A_90 = tpu.memref_slice %arg8[%add3A_79, %dma_start3A_89] : memref<40x128xi32, #tpu.memory_space<vmem>> -> memref<1x128xi32, #tpu.memory_space<vmem>>
        %dma_start3A_91 = tpu.memref_squeeze %dma_start3A_90 : memref<1x128xi32, #tpu.memory_space<vmem>> -> memref<128xi32, #tpu.memory_space<vmem>>
        %dma_start3A_92 = arith.constant 0 : i32
        %dma_start3A_93 = arith.constant 0 : i32
        %dma_start3A_94 = tpu.memref_slice %arg11[%dma_start3A_92, %dma_start3A_93] : memref<10240x48xf32, #tpu.memory_space<vmem_shared>> -> memref<10240x48xf32, #tpu.memory_space<vmem_shared>>
        tpu.enqueue_indirect_dma source(%arg10 : memref<128x48xf32, #tpu.memory_space<vmem>>) target(%dma_start3A_94 : memref<10240x48xf32, #tpu.memory_space<vmem_shared>>) offsets(%dma_start3A_91 : memref<128xi32, #tpu.memory_space<vmem>>) semaphore(%run_scoped3A : memref<!tpu.dma_semaphore, #tpu.memory_space<semaphore_mem>>) {add = true}
        %dma_wait3A_95 = arith.constant 0 : i32
        %dma_wait3A_96 = tpu.memref_slice %arg8[%add3A_79, %dma_wait3A_95] : memref<40x128xi32, #tpu.memory_space<vmem>> -> memref<1x128xi32, #tpu.memory_space<vmem>>
        %dma_wait3A_97 = tpu.memref_squeeze %dma_wait3A_96 : memref<1x128xi32, #tpu.memory_space<vmem>> -> memref<128xi32, #tpu.memory_space<vmem>>
        %dma_wait3A_98 = arith.constant 0 : i32
        %dma_wait3A_99 = arith.constant 0 : i32
        %dma_wait3A_100 = tpu.memref_slice %arg11[%dma_wait3A_98, %dma_wait3A_99] : memref<10240x48xf32, #tpu.memory_space<vmem_shared>> -> memref<10240x48xf32, #tpu.memory_space<vmem_shared>>
        tpu.wait_indirect_dma semaphore(%run_scoped3A : memref<!tpu.dma_semaphore, #tpu.memory_space<semaphore_mem>>) src(%arg10 : memref<128x48xf32, #tpu.memory_space<vmem>>) dst(%dma_wait3A_100 : memref<10240x48xf32, #tpu.memory_space<vmem_shared>>)
        tpu.yield
      }) : () -> ()
      %add3A_80 = arith.constant 1 : i32
      %add3A_81 = arith.addi %add3A_54, %add3A_80 : i32
      %add3A_82 = arith.constant 2 : i32
      %add3A_83 = arith.addi %add3A_81, %add3A_82 : i32
      %lt3A_84 = arith.constant 40 : i32
      %lt3A_85 = arith.cmpi slt, %add3A_83, %lt3A_84 : i32
      %convert_element_type3A_86 = arith.extui %lt3A_85 : i1 to i32
      %cond3A_87 = arith.constant 0 : i32
      %cond3A_88 = arith.cmpi ne, %convert_element_type3A_86, %cond3A_87 : i32
      scf.if %cond3A_88 {
        %add3A_89 = arith.constant 1 : i32
        %add3A_90 = arith.addi %add3A_54, %add3A_89 : i32
        %add3A_91 = arith.constant 2 : i32
        %add3A_92 = arith.addi %add3A_90, %add3A_91 : i32
        %dma_start3A_93 = arith.constant 0 : i32
        %dma_start3A_94 = tpu.memref_slice %arg7[%add3A_92, %dma_start3A_93] : memref<40x128xi32, #tpu.memory_space<vmem>> -> memref<1x128xi32, #tpu.memory_space<vmem>>
        %dma_start3A_95 = tpu.memref_squeeze %dma_start3A_94 : memref<1x128xi32, #tpu.memory_space<vmem>> -> memref<128xi32, #tpu.memory_space<vmem>>
        %dma_start3A_96 = arith.constant 0 : i32
        %dma_start3A_97 = arith.constant 0 : i32
        %dma_start3A_98 = tpu.memref_slice %arg2[%dma_start3A_96, %dma_start3A_97] : memref<10240x48xf32, #tpu.memory_space<hbm>> -> memref<10240x48xf32, #tpu.memory_space<hbm>>
        tpu.enqueue_indirect_dma source(%dma_start3A_98 : memref<10240x48xf32, #tpu.memory_space<hbm>>) target(%arg10 : memref<128x48xf32, #tpu.memory_space<vmem>>) offsets(%dma_start3A_95 : memref<128xi32, #tpu.memory_space<vmem>>) semaphore(%arg13 : memref<!tpu.dma_semaphore, #tpu.memory_space<semaphore_mem>>)
      } else {
      }
    }
    %scan3A_48 = arith.constant 20 : i32
    %barrier3A_49 = arith.constant 0 : index
    tpu.barrier barrier_id(%barrier3A_49)
    "tpu.region"() ({
      %run_scoped3A = tpu.sem_alloc : memref<!tpu.dma_semaphore, #tpu.memory_space<semaphore_mem>>
      %dma_start3A_50 = arith.constant 0 : i32
      %dma_start3A_51 = tpu.memref_slice %arg6[%arg0, %mul3A_2, %dma_start3A_50] : memref<2x10240x48xf32, #tpu.memory_space<hbm>> -> memref<1x640x48xf32, #tpu.memory_space<hbm>>
      %dma_start3A_52 = tpu.memref_squeeze %dma_start3A_51 : memref<1x640x48xf32, #tpu.memory_space<hbm>> -> memref<640x48xf32, #tpu.memory_space<hbm>>
      %dma_start3A_53 = arith.constant 0 : i32
      %dma_start3A_54 = tpu.memref_slice %arg11[%mul3A_2, %dma_start3A_53] : memref<10240x48xf32, #tpu.memory_space<vmem_shared>> -> memref<640x48xf32, #tpu.memory_space<vmem_shared>>
      tpu.enqueue_dma source(%dma_start3A_54 : memref<640x48xf32, #tpu.memory_space<vmem_shared>>) target(%dma_start3A_52 : memref<640x48xf32, #tpu.memory_space<hbm>>) target_semaphore(%run_scoped3A : memref<!tpu.dma_semaphore, #tpu.memory_space<semaphore_mem>>)
      %dma_wait3A = arith.constant 0 : i32
      %dma_wait3A_55 = tpu.memref_slice %arg6[%arg0, %mul3A_2, %dma_wait3A] : memref<2x10240x48xf32, #tpu.memory_space<hbm>> -> memref<1x640x48xf32, #tpu.memory_space<hbm>>
      %dma_wait3A_56 = tpu.memref_squeeze %dma_wait3A_55 : memref<1x640x48xf32, #tpu.memory_space<hbm>> -> memref<640x48xf32, #tpu.memory_space<hbm>>
      %dma_wait3A_57 = arith.constant 0 : i32
      %dma_wait3A_58 = tpu.memref_slice %arg11[%mul3A_2, %dma_wait3A_57] : memref<10240x48xf32, #tpu.memory_space<vmem_shared>> -> memref<640x48xf32, #tpu.memory_space<vmem_shared>>
      tpu.wait_dma2 semaphore(%run_scoped3A : memref<!tpu.dma_semaphore, #tpu.memory_space<semaphore_mem>>) src(%dma_wait3A_58 : memref<640x48xf32, #tpu.memory_space<vmem_shared>>) dst(%dma_wait3A_56 : memref<640x48xf32, #tpu.memory_space<hbm>>)
      tpu.yield
    }) : () -> ()
    return
  }
}

#map = affine_map<(d0, d1) -> (0, 0)>
#map1 = affine_map<(d0, d1) -> (0, 0, 0)>
module attributes {stable_mosaic.version = 14 : i64} {
  func.func @k(%arg0: i32, %arg1: i32, %arg2: memref<10240x128xf32, #tpu.memory_space<hbm>>, %arg3: memref<32x80x128xi32, #tpu.memory_space<hbm>>, %arg4: memref<32x80x128xi32, #tpu.memory_space<hbm>>, %arg5: memref<128x128xf32, #tpu.memory_space<hbm>>, %arg6: memref<2x10240x128xf32, #tpu.memory_space<hbm>>, %arg7: memref<40x128xi32, #tpu.memory_space<vmem>>, %arg8: memref<40x128xi32, #tpu.memory_space<vmem>>, %arg9: memref<128x128xf32, #tpu.memory_space<vmem>>, %arg10: memref<128x128xf32, #tpu.memory_space<vmem>>, %arg11: memref<10240x128xf32, #tpu.memory_space<vmem_shared>>, %arg12: memref<!tpu.dma_semaphore, #tpu.memory_space<semaphore_mem>>, %arg13: memref<!tpu.dma_semaphore, #tpu.memory_space<semaphore_mem>>) attributes {dimension_semantics = [#tpu.dimension_semantics<core_parallel>, #tpu.dimension_semantics<subcore_parallel>], iteration_bounds = array<i64: 2, 16>, scalar_prefetch = 0 : i64, scratch_operands = 7 : i64, tpu.core_type = #tpu.core_type<sc_vector_subcore>, window_params = [{transform_indices = #map}, {transform_indices = #map1}, {transform_indices = #map1}, {transform_indices = #map}, {transform_indices = #map1}]} {
    %mul3A = arith.constant 2 : i32
    %mul3A_0 = arith.muli %arg1, %mul3A : i32
    %add3A = arith.addi %mul3A_0, %arg0 : i32
    %mul3A_1 = arith.constant 640 : i32
    %mul3A_2 = arith.muli %arg1, %mul3A_1 : i32
    "tpu.region"() ({
      %run_scoped3A = tpu.sem_alloc : memref<!tpu.dma_semaphore, #tpu.memory_space<semaphore_mem>>
      tpu.enqueue_dma source(%arg5 : memref<128x128xf32, #tpu.memory_space<hbm>>) target(%arg9 : memref<128x128xf32, #tpu.memory_space<vmem>>) target_semaphore(%run_scoped3A : memref<!tpu.dma_semaphore, #tpu.memory_space<semaphore_mem>>)
      tpu.wait_dma2 semaphore(%run_scoped3A : memref<!tpu.dma_semaphore, #tpu.memory_space<semaphore_mem>>) src(%arg5 : memref<128x128xf32, #tpu.memory_space<hbm>>) dst(%arg9 : memref<128x128xf32, #tpu.memory_space<vmem>>)
      tpu.yield
    }) : () -> ()
    %add3A_3 = arith.constant 0 : i32
    %add3A_4 = arith.addi %mul3A_2, %add3A_3 : i32
    "tpu.region"() ({
      %run_scoped3A = tpu.sem_alloc : memref<!tpu.dma_semaphore, #tpu.memory_space<semaphore_mem>>
      %dma_start3A_50 = arith.constant 0 : i32
      %dma_start3A_51 = tpu.memref_slice %arg11[%add3A_4, %dma_start3A_50] : memref<10240x128xf32, #tpu.memory_space<vmem_shared>> -> memref<128x128xf32, #tpu.memory_space<vmem_shared>>
      %dma_start3A_52 = arith.constant 0 : i32
      %dma_start3A_53 = tpu.memref_slice %arg11[%add3A_4, %dma_start3A_52] : memref<10240x128xf32, #tpu.memory_space<vmem_shared>> -> memref<128x128xf32, #tpu.memory_space<vmem_shared>>
      tpu.enqueue_dma source(%arg9 : memref<128x128xf32, #tpu.memory_space<vmem>>) target(%dma_start3A_53 : memref<128x128xf32, #tpu.memory_space<vmem_shared>>) target_semaphore(%run_scoped3A : memref<!tpu.dma_semaphore, #tpu.memory_space<semaphore_mem>>)
      %dma_wait3A = arith.constant 0 : i32
      %dma_wait3A_54 = tpu.memref_slice %arg11[%add3A_4, %dma_wait3A] : memref<10240x128xf32, #tpu.memory_space<vmem_shared>> -> memref<128x128xf32, #tpu.memory_space<vmem_shared>>
      %dma_wait3A_55 = arith.constant 0 : i32
      %dma_wait3A_56 = tpu.memref_slice %arg11[%add3A_4, %dma_wait3A_55] : memref<10240x128xf32, #tpu.memory_space<vmem_shared>> -> memref<128x128xf32, #tpu.memory_space<vmem_shared>>
      tpu.wait_dma2 semaphore(%run_scoped3A : memref<!tpu.dma_semaphore, #tpu.memory_space<semaphore_mem>>) src(%arg9 : memref<128x128xf32, #tpu.memory_space<vmem>>) dst(%dma_wait3A_56 : memref<128x128xf32, #tpu.memory_space<vmem_shared>>)
      tpu.yield
    }) : () -> ()
    %add3A_5 = arith.constant 128 : i32
    %add3A_6 = arith.addi %mul3A_2, %add3A_5 : i32
    "tpu.region"() ({
      %run_scoped3A = tpu.sem_alloc : memref<!tpu.dma_semaphore, #tpu.memory_space<semaphore_mem>>
      %dma_start3A_50 = arith.constant 0 : i32
      %dma_start3A_51 = tpu.memref_slice %arg11[%add3A_6, %dma_start3A_50] : memref<10240x128xf32, #tpu.memory_space<vmem_shared>> -> memref<128x128xf32, #tpu.memory_space<vmem_shared>>
      %dma_start3A_52 = arith.constant 0 : i32
      %dma_start3A_53 = tpu.memref_slice %arg11[%add3A_6, %dma_start3A_52] : memref<10240x128xf32, #tpu.memory_space<vmem_shared>> -> memref<128x128xf32, #tpu.memory_space<vmem_shared>>
      tpu.enqueue_dma source(%arg9 : memref<128x128xf32, #tpu.memory_space<vmem>>) target(%dma_start3A_53 : memref<128x128xf32, #tpu.memory_space<vmem_shared>>) target_semaphore(%run_scoped3A : memref<!tpu.dma_semaphore, #tpu.memory_space<semaphore_mem>>)
      %dma_wait3A = arith.constant 0 : i32
      %dma_wait3A_54 = tpu.memref_slice %arg11[%add3A_6, %dma_wait3A] : memref<10240x128xf32, #tpu.memory_space<vmem_shared>> -> memref<128x128xf32, #tpu.memory_space<vmem_shared>>
      %dma_wait3A_55 = arith.constant 0 : i32
      %dma_wait3A_56 = tpu.memref_slice %arg11[%add3A_6, %dma_wait3A_55] : memref<10240x128xf32, #tpu.memory_space<vmem_shared>> -> memref<128x128xf32, #tpu.memory_space<vmem_shared>>
      tpu.wait_dma2 semaphore(%run_scoped3A : memref<!tpu.dma_semaphore, #tpu.memory_space<semaphore_mem>>) src(%arg9 : memref<128x128xf32, #tpu.memory_space<vmem>>) dst(%dma_wait3A_56 : memref<128x128xf32, #tpu.memory_space<vmem_shared>>)
      tpu.yield
    }) : () -> ()
    %add3A_7 = arith.constant 256 : i32
    %add3A_8 = arith.addi %mul3A_2, %add3A_7 : i32
    "tpu.region"() ({
      %run_scoped3A = tpu.sem_alloc : memref<!tpu.dma_semaphore, #tpu.memory_space<semaphore_mem>>
      %dma_start3A_50 = arith.constant 0 : i32
      %dma_start3A_51 = tpu.memref_slice %arg11[%add3A_8, %dma_start3A_50] : memref<10240x128xf32, #tpu.memory_space<vmem_shared>> -> memref<128x128xf32, #tpu.memory_space<vmem_shared>>
      %dma_start3A_52 = arith.constant 0 : i32
      %dma_start3A_53 = tpu.memref_slice %arg11[%add3A_8, %dma_start3A_52] : memref<10240x128xf32, #tpu.memory_space<vmem_shared>> -> memref<128x128xf32, #tpu.memory_space<vmem_shared>>
      tpu.enqueue_dma source(%arg9 : memref<128x128xf32, #tpu.memory_space<vmem>>) target(%dma_start3A_53 : memref<128x128xf32, #tpu.memory_space<vmem_shared>>) target_semaphore(%run_scoped3A : memref<!tpu.dma_semaphore, #tpu.memory_space<semaphore_mem>>)
      %dma_wait3A = arith.constant 0 : i32
      %dma_wait3A_54 = tpu.memref_slice %arg11[%add3A_8, %dma_wait3A] : memref<10240x128xf32, #tpu.memory_space<vmem_shared>> -> memref<128x128xf32, #tpu.memory_space<vmem_shared>>
      %dma_wait3A_55 = arith.constant 0 : i32
      %dma_wait3A_56 = tpu.memref_slice %arg11[%add3A_8, %dma_wait3A_55] : memref<10240x128xf32, #tpu.memory_space<vmem_shared>> -> memref<128x128xf32, #tpu.memory_space<vmem_shared>>
      tpu.wait_dma2 semaphore(%run_scoped3A : memref<!tpu.dma_semaphore, #tpu.memory_space<semaphore_mem>>) src(%arg9 : memref<128x128xf32, #tpu.memory_space<vmem>>) dst(%dma_wait3A_56 : memref<128x128xf32, #tpu.memory_space<vmem_shared>>)
      tpu.yield
    }) : () -> ()
    %add3A_9 = arith.constant 384 : i32
    %add3A_10 = arith.addi %mul3A_2, %add3A_9 : i32
    "tpu.region"() ({
      %run_scoped3A = tpu.sem_alloc : memref<!tpu.dma_semaphore, #tpu.memory_space<semaphore_mem>>
      %dma_start3A_50 = arith.constant 0 : i32
      %dma_start3A_51 = tpu.memref_slice %arg11[%add3A_10, %dma_start3A_50] : memref<10240x128xf32, #tpu.memory_space<vmem_shared>> -> memref<128x128xf32, #tpu.memory_space<vmem_shared>>
      %dma_start3A_52 = arith.constant 0 : i32
      %dma_start3A_53 = tpu.memref_slice %arg11[%add3A_10, %dma_start3A_52] : memref<10240x128xf32, #tpu.memory_space<vmem_shared>> -> memref<128x128xf32, #tpu.memory_space<vmem_shared>>
      tpu.enqueue_dma source(%arg9 : memref<128x128xf32, #tpu.memory_space<vmem>>) target(%dma_start3A_53 : memref<128x128xf32, #tpu.memory_space<vmem_shared>>) target_semaphore(%run_scoped3A : memref<!tpu.dma_semaphore, #tpu.memory_space<semaphore_mem>>)
      %dma_wait3A = arith.constant 0 : i32
      %dma_wait3A_54 = tpu.memref_slice %arg11[%add3A_10, %dma_wait3A] : memref<10240x128xf32, #tpu.memory_space<vmem_shared>> -> memref<128x128xf32, #tpu.memory_space<vmem_shared>>
      %dma_wait3A_55 = arith.constant 0 : i32
      %dma_wait3A_56 = tpu.memref_slice %arg11[%add3A_10, %dma_wait3A_55] : memref<10240x128xf32, #tpu.memory_space<vmem_shared>> -> memref<128x128xf32, #tpu.memory_space<vmem_shared>>
      tpu.wait_dma2 semaphore(%run_scoped3A : memref<!tpu.dma_semaphore, #tpu.memory_space<semaphore_mem>>) src(%arg9 : memref<128x128xf32, #tpu.memory_space<vmem>>) dst(%dma_wait3A_56 : memref<128x128xf32, #tpu.memory_space<vmem_shared>>)
      tpu.yield
    }) : () -> ()
    %add3A_11 = arith.constant 512 : i32
    %add3A_12 = arith.addi %mul3A_2, %add3A_11 : i32
    "tpu.region"() ({
      %run_scoped3A = tpu.sem_alloc : memref<!tpu.dma_semaphore, #tpu.memory_space<semaphore_mem>>
      %dma_start3A_50 = arith.constant 0 : i32
      %dma_start3A_51 = tpu.memref_slice %arg11[%add3A_12, %dma_start3A_50] : memref<10240x128xf32, #tpu.memory_space<vmem_shared>> -> memref<128x128xf32, #tpu.memory_space<vmem_shared>>
      %dma_start3A_52 = arith.constant 0 : i32
      %dma_start3A_53 = tpu.memref_slice %arg11[%add3A_12, %dma_start3A_52] : memref<10240x128xf32, #tpu.memory_space<vmem_shared>> -> memref<128x128xf32, #tpu.memory_space<vmem_shared>>
      tpu.enqueue_dma source(%arg9 : memref<128x128xf32, #tpu.memory_space<vmem>>) target(%dma_start3A_53 : memref<128x128xf32, #tpu.memory_space<vmem_shared>>) target_semaphore(%run_scoped3A : memref<!tpu.dma_semaphore, #tpu.memory_space<semaphore_mem>>)
      %dma_wait3A = arith.constant 0 : i32
      %dma_wait3A_54 = tpu.memref_slice %arg11[%add3A_12, %dma_wait3A] : memref<10240x128xf32, #tpu.memory_space<vmem_shared>> -> memref<128x128xf32, #tpu.memory_space<vmem_shared>>
      %dma_wait3A_55 = arith.constant 0 : i32
      %dma_wait3A_56 = tpu.memref_slice %arg11[%add3A_12, %dma_wait3A_55] : memref<10240x128xf32, #tpu.memory_space<vmem_shared>> -> memref<128x128xf32, #tpu.memory_space<vmem_shared>>
      tpu.wait_dma2 semaphore(%run_scoped3A : memref<!tpu.dma_semaphore, #tpu.memory_space<semaphore_mem>>) src(%arg9 : memref<128x128xf32, #tpu.memory_space<vmem>>) dst(%dma_wait3A_56 : memref<128x128xf32, #tpu.memory_space<vmem_shared>>)
      tpu.yield
    }) : () -> ()
    %barrier3A = arith.constant 0 : index
    tpu.barrier barrier_id(%barrier3A)
    "tpu.region"() ({
      %run_scoped3A = tpu.sem_alloc : memref<!tpu.dma_semaphore, #tpu.memory_space<semaphore_mem>>
      %dma_start3A_50 = arith.constant 0 : i32
      %dma_start3A_51 = arith.constant 0 : i32
      %dma_start3A_52 = tpu.memref_slice %arg3[%add3A, %dma_start3A_50, %dma_start3A_51] : memref<32x80x128xi32, #tpu.memory_space<hbm>> -> memref<1x40x128xi32, #tpu.memory_space<hbm>>
      %dma_start3A_53 = tpu.memref_squeeze %dma_start3A_52 : memref<1x40x128xi32, #tpu.memory_space<hbm>> -> memref<40x128xi32, #tpu.memory_space<hbm>>
      %dma_start3A_54 = arith.constant 0 : i32
      %dma_start3A_55 = arith.constant 0 : i32
      %dma_start3A_56 = tpu.memref_slice %arg3[%add3A, %dma_start3A_54, %dma_start3A_55] : memref<32x80x128xi32, #tpu.memory_space<hbm>> -> memref<1x40x128xi32, #tpu.memory_space<hbm>>
      %dma_start3A_57 = tpu.memref_squeeze %dma_start3A_56 : memref<1x40x128xi32, #tpu.memory_space<hbm>> -> memref<40x128xi32, #tpu.memory_space<hbm>>
      tpu.enqueue_dma source(%dma_start3A_57 : memref<40x128xi32, #tpu.memory_space<hbm>>) target(%arg7 : memref<40x128xi32, #tpu.memory_space<vmem>>) target_semaphore(%run_scoped3A : memref<!tpu.dma_semaphore, #tpu.memory_space<semaphore_mem>>)
      %dma_wait3A = arith.constant 0 : i32
      %dma_wait3A_58 = arith.constant 0 : i32
      %dma_wait3A_59 = tpu.memref_slice %arg3[%add3A, %dma_wait3A, %dma_wait3A_58] : memref<32x80x128xi32, #tpu.memory_space<hbm>> -> memref<1x40x128xi32, #tpu.memory_space<hbm>>
      %dma_wait3A_60 = tpu.memref_squeeze %dma_wait3A_59 : memref<1x40x128xi32, #tpu.memory_space<hbm>> -> memref<40x128xi32, #tpu.memory_space<hbm>>
      %dma_wait3A_61 = arith.constant 0 : i32
      %dma_wait3A_62 = arith.constant 0 : i32
      %dma_wait3A_63 = tpu.memref_slice %arg3[%add3A, %dma_wait3A_61, %dma_wait3A_62] : memref<32x80x128xi32, #tpu.memory_space<hbm>> -> memref<1x40x128xi32, #tpu.memory_space<hbm>>
      %dma_wait3A_64 = tpu.memref_squeeze %dma_wait3A_63 : memref<1x40x128xi32, #tpu.memory_space<hbm>> -> memref<40x128xi32, #tpu.memory_space<hbm>>
      tpu.wait_dma2 semaphore(%run_scoped3A : memref<!tpu.dma_semaphore, #tpu.memory_space<semaphore_mem>>) src(%dma_wait3A_64 : memref<40x128xi32, #tpu.memory_space<hbm>>) dst(%arg7 : memref<40x128xi32, #tpu.memory_space<vmem>>)
      tpu.yield
    }) : () -> ()
    "tpu.region"() ({
      %run_scoped3A = tpu.sem_alloc : memref<!tpu.dma_semaphore, #tpu.memory_space<semaphore_mem>>
      %dma_start3A_50 = arith.constant 0 : i32
      %dma_start3A_51 = arith.constant 0 : i32
      %dma_start3A_52 = tpu.memref_slice %arg4[%add3A, %dma_start3A_50, %dma_start3A_51] : memref<32x80x128xi32, #tpu.memory_space<hbm>> -> memref<1x40x128xi32, #tpu.memory_space<hbm>>
      %dma_start3A_53 = tpu.memref_squeeze %dma_start3A_52 : memref<1x40x128xi32, #tpu.memory_space<hbm>> -> memref<40x128xi32, #tpu.memory_space<hbm>>
      %dma_start3A_54 = arith.constant 0 : i32
      %dma_start3A_55 = arith.constant 0 : i32
      %dma_start3A_56 = tpu.memref_slice %arg4[%add3A, %dma_start3A_54, %dma_start3A_55] : memref<32x80x128xi32, #tpu.memory_space<hbm>> -> memref<1x40x128xi32, #tpu.memory_space<hbm>>
      %dma_start3A_57 = tpu.memref_squeeze %dma_start3A_56 : memref<1x40x128xi32, #tpu.memory_space<hbm>> -> memref<40x128xi32, #tpu.memory_space<hbm>>
      tpu.enqueue_dma source(%dma_start3A_57 : memref<40x128xi32, #tpu.memory_space<hbm>>) target(%arg8 : memref<40x128xi32, #tpu.memory_space<vmem>>) target_semaphore(%run_scoped3A : memref<!tpu.dma_semaphore, #tpu.memory_space<semaphore_mem>>)
      %dma_wait3A = arith.constant 0 : i32
      %dma_wait3A_58 = arith.constant 0 : i32
      %dma_wait3A_59 = tpu.memref_slice %arg4[%add3A, %dma_wait3A, %dma_wait3A_58] : memref<32x80x128xi32, #tpu.memory_space<hbm>> -> memref<1x40x128xi32, #tpu.memory_space<hbm>>
      %dma_wait3A_60 = tpu.memref_squeeze %dma_wait3A_59 : memref<1x40x128xi32, #tpu.memory_space<hbm>> -> memref<40x128xi32, #tpu.memory_space<hbm>>
      %dma_wait3A_61 = arith.constant 0 : i32
      %dma_wait3A_62 = arith.constant 0 : i32
      %dma_wait3A_63 = tpu.memref_slice %arg4[%add3A, %dma_wait3A_61, %dma_wait3A_62] : memref<32x80x128xi32, #tpu.memory_space<hbm>> -> memref<1x40x128xi32, #tpu.memory_space<hbm>>
      %dma_wait3A_64 = tpu.memref_squeeze %dma_wait3A_63 : memref<1x40x128xi32, #tpu.memory_space<hbm>> -> memref<40x128xi32, #tpu.memory_space<hbm>>
      tpu.wait_dma2 semaphore(%run_scoped3A : memref<!tpu.dma_semaphore, #tpu.memory_space<semaphore_mem>>) src(%dma_wait3A_64 : memref<40x128xi32, #tpu.memory_space<hbm>>) dst(%arg8 : memref<40x128xi32, #tpu.memory_space<vmem>>)
      tpu.yield
    }) : () -> ()
    %dma_start3A = arith.constant 0 : i32
    %dma_start3A_13 = arith.constant 0 : i32
    %dma_start3A_14 = tpu.memref_slice %arg7[%dma_start3A, %dma_start3A_13] : memref<40x128xi32, #tpu.memory_space<vmem>> -> memref<1x128xi32, #tpu.memory_space<vmem>>
    %dma_start3A_15 = tpu.memref_squeeze %dma_start3A_14 : memref<1x128xi32, #tpu.memory_space<vmem>> -> memref<128xi32, #tpu.memory_space<vmem>>
    %dma_start3A_16 = arith.constant 0 : i32
    %dma_start3A_17 = arith.constant 0 : i32
    %dma_start3A_18 = tpu.memref_slice %arg2[%dma_start3A_16, %dma_start3A_17] : memref<10240x128xf32, #tpu.memory_space<hbm>> -> memref<10240x128xf32, #tpu.memory_space<hbm>>
    tpu.enqueue_indirect_dma source(%dma_start3A_18 : memref<10240x128xf32, #tpu.memory_space<hbm>>) target(%arg9 : memref<128x128xf32, #tpu.memory_space<vmem>>) offsets(%dma_start3A_15 : memref<128xi32, #tpu.memory_space<vmem>>) semaphore(%arg12 : memref<!tpu.dma_semaphore, #tpu.memory_space<semaphore_mem>>)
    %dma_start3A_19 = arith.constant 1 : i32
    %dma_start3A_20 = arith.constant 0 : i32
    %dma_start3A_21 = tpu.memref_slice %arg7[%dma_start3A_19, %dma_start3A_20] : memref<40x128xi32, #tpu.memory_space<vmem>> -> memref<1x128xi32, #tpu.memory_space<vmem>>
    %dma_start3A_22 = tpu.memref_squeeze %dma_start3A_21 : memref<1x128xi32, #tpu.memory_space<vmem>> -> memref<128xi32, #tpu.memory_space<vmem>>
    %dma_start3A_23 = arith.constant 0 : i32
    %dma_start3A_24 = arith.constant 0 : i32
    %dma_start3A_25 = tpu.memref_slice %arg2[%dma_start3A_23, %dma_start3A_24] : memref<10240x128xf32, #tpu.memory_space<hbm>> -> memref<10240x128xf32, #tpu.memory_space<hbm>>
    tpu.enqueue_indirect_dma source(%dma_start3A_25 : memref<10240x128xf32, #tpu.memory_space<hbm>>) target(%arg10 : memref<128x128xf32, #tpu.memory_space<vmem>>) offsets(%dma_start3A_22 : memref<128xi32, #tpu.memory_space<vmem>>) semaphore(%arg13 : memref<!tpu.dma_semaphore, #tpu.memory_space<semaphore_mem>>)
    %scan3A = arith.constant 0 : i32
    %scan3A_26 = arith.constant 20 : i32
    %scan3A_27 = arith.addi %scan3A, %scan3A_26 : i32
    %scan3A_28 = arith.constant 1 : i32
    scf.for %scan3A_50 = %scan3A to %scan3A_27 step %scan3A_28  : i32 {
      %mul3A_51 = arith.constant 2 : i32
      %mul3A_52 = arith.muli %scan3A_50, %mul3A_51 : i32
      %add3A_53 = arith.constant 0 : i32
      %add3A_54 = arith.addi %add3A_53, %mul3A_52 : i32
      %add3A_55 = arith.constant 0 : i32
      %add3A_56 = arith.addi %add3A_54, %add3A_55 : i32
      %dma_wait3A = arith.constant 0 : i32
      %dma_wait3A_57 = tpu.memref_slice %arg7[%add3A_56, %dma_wait3A] : memref<40x128xi32, #tpu.memory_space<vmem>> -> memref<1x128xi32, #tpu.memory_space<vmem>>
      %dma_wait3A_58 = tpu.memref_squeeze %dma_wait3A_57 : memref<1x128xi32, #tpu.memory_space<vmem>> -> memref<128xi32, #tpu.memory_space<vmem>>
      %dma_wait3A_59 = arith.constant 0 : i32
      %dma_wait3A_60 = arith.constant 0 : i32
      %dma_wait3A_61 = tpu.memref_slice %arg2[%dma_wait3A_59, %dma_wait3A_60] : memref<10240x128xf32, #tpu.memory_space<hbm>> -> memref<10240x128xf32, #tpu.memory_space<hbm>>
      tpu.wait_indirect_dma semaphore(%arg12 : memref<!tpu.dma_semaphore, #tpu.memory_space<semaphore_mem>>) src(%dma_wait3A_61 : memref<10240x128xf32, #tpu.memory_space<hbm>>) dst(%arg9 : memref<128x128xf32, #tpu.memory_space<vmem>>)
      %add3A_62 = arith.constant 0 : i32
      %add3A_63 = arith.addi %add3A_54, %add3A_62 : i32
      "tpu.region"() ({
        %run_scoped3A = tpu.sem_alloc : memref<!tpu.dma_semaphore, #tpu.memory_space<semaphore_mem>>
        %dma_start3A_89 = arith.constant 0 : i32
        %dma_start3A_90 = tpu.memref_slice %arg8[%add3A_63, %dma_start3A_89] : memref<40x128xi32, #tpu.memory_space<vmem>> -> memref<1x128xi32, #tpu.memory_space<vmem>>
        %dma_start3A_91 = tpu.memref_squeeze %dma_start3A_90 : memref<1x128xi32, #tpu.memory_space<vmem>> -> memref<128xi32, #tpu.memory_space<vmem>>
        %dma_start3A_92 = arith.constant 0 : i32
        %dma_start3A_93 = arith.constant 0 : i32
        %dma_start3A_94 = tpu.memref_slice %arg11[%dma_start3A_92, %dma_start3A_93] : memref<10240x128xf32, #tpu.memory_space<vmem_shared>> -> memref<10240x128xf32, #tpu.memory_space<vmem_shared>>
        tpu.enqueue_indirect_dma source(%arg9 : memref<128x128xf32, #tpu.memory_space<vmem>>) target(%dma_start3A_94 : memref<10240x128xf32, #tpu.memory_space<vmem_shared>>) offsets(%dma_start3A_91 : memref<128xi32, #tpu.memory_space<vmem>>) semaphore(%run_scoped3A : memref<!tpu.dma_semaphore, #tpu.memory_space<semaphore_mem>>) {add = true}
        %dma_wait3A_95 = arith.constant 0 : i32
        %dma_wait3A_96 = tpu.memref_slice %arg8[%add3A_63, %dma_wait3A_95] : memref<40x128xi32, #tpu.memory_space<vmem>> -> memref<1x128xi32, #tpu.memory_space<vmem>>
        %dma_wait3A_97 = tpu.memref_squeeze %dma_wait3A_96 : memref<1x128xi32, #tpu.memory_space<vmem>> -> memref<128xi32, #tpu.memory_space<vmem>>
        %dma_wait3A_98 = arith.constant 0 : i32
        %dma_wait3A_99 = arith.constant 0 : i32
        %dma_wait3A_100 = tpu.memref_slice %arg11[%dma_wait3A_98, %dma_wait3A_99] : memref<10240x128xf32, #tpu.memory_space<vmem_shared>> -> memref<10240x128xf32, #tpu.memory_space<vmem_shared>>
        tpu.wait_indirect_dma semaphore(%run_scoped3A : memref<!tpu.dma_semaphore, #tpu.memory_space<semaphore_mem>>) src(%arg9 : memref<128x128xf32, #tpu.memory_space<vmem>>) dst(%dma_wait3A_100 : memref<10240x128xf32, #tpu.memory_space<vmem_shared>>)
        tpu.yield
      }) : () -> ()
      %add3A_64 = arith.constant 0 : i32
      %add3A_65 = arith.addi %add3A_54, %add3A_64 : i32
      %add3A_66 = arith.constant 2 : i32
      %add3A_67 = arith.addi %add3A_65, %add3A_66 : i32
      %lt3A = arith.constant 40 : i32
      %lt3A_68 = arith.cmpi slt, %add3A_67, %lt3A : i32
      %convert_element_type3A = arith.extui %lt3A_68 : i1 to i32
      %cond3A = arith.constant 0 : i32
      %cond3A_69 = arith.cmpi ne, %convert_element_type3A, %cond3A : i32
      scf.if %cond3A_69 {
        %add3A_89 = arith.constant 0 : i32
        %add3A_90 = arith.addi %add3A_54, %add3A_89 : i32
        %add3A_91 = arith.constant 2 : i32
        %add3A_92 = arith.addi %add3A_90, %add3A_91 : i32
        %dma_start3A_93 = arith.constant 0 : i32
        %dma_start3A_94 = tpu.memref_slice %arg7[%add3A_92, %dma_start3A_93] : memref<40x128xi32, #tpu.memory_space<vmem>> -> memref<1x128xi32, #tpu.memory_space<vmem>>
        %dma_start3A_95 = tpu.memref_squeeze %dma_start3A_94 : memref<1x128xi32, #tpu.memory_space<vmem>> -> memref<128xi32, #tpu.memory_space<vmem>>
        %dma_start3A_96 = arith.constant 0 : i32
        %dma_start3A_97 = arith.constant 0 : i32
        %dma_start3A_98 = tpu.memref_slice %arg2[%dma_start3A_96, %dma_start3A_97] : memref<10240x128xf32, #tpu.memory_space<hbm>> -> memref<10240x128xf32, #tpu.memory_space<hbm>>
        tpu.enqueue_indirect_dma source(%dma_start3A_98 : memref<10240x128xf32, #tpu.memory_space<hbm>>) target(%arg9 : memref<128x128xf32, #tpu.memory_space<vmem>>) offsets(%dma_start3A_95 : memref<128xi32, #tpu.memory_space<vmem>>) semaphore(%arg12 : memref<!tpu.dma_semaphore, #tpu.memory_space<semaphore_mem>>)
      } else {
      }
      %add3A_70 = arith.constant 1 : i32
      %add3A_71 = arith.addi %add3A_54, %add3A_70 : i32
      %dma_wait3A_72 = arith.constant 0 : i32
      %dma_wait3A_73 = tpu.memref_slice %arg7[%add3A_71, %dma_wait3A_72] : memref<40x128xi32, #tpu.memory_space<vmem>> -> memref<1x128xi32, #tpu.memory_space<vmem>>
      %dma_wait3A_74 = tpu.memref_squeeze %dma_wait3A_73 : memref<1x128xi32, #tpu.memory_space<vmem>> -> memref<128xi32, #tpu.memory_space<vmem>>
      %dma_wait3A_75 = arith.constant 0 : i32
      %dma_wait3A_76 = arith.constant 0 : i32
      %dma_wait3A_77 = tpu.memref_slice %arg2[%dma_wait3A_75, %dma_wait3A_76] : memref<10240x128xf32, #tpu.memory_space<hbm>> -> memref<10240x128xf32, #tpu.memory_space<hbm>>
      tpu.wait_indirect_dma semaphore(%arg13 : memref<!tpu.dma_semaphore, #tpu.memory_space<semaphore_mem>>) src(%dma_wait3A_77 : memref<10240x128xf32, #tpu.memory_space<hbm>>) dst(%arg10 : memref<128x128xf32, #tpu.memory_space<vmem>>)
      %add3A_78 = arith.constant 1 : i32
      %add3A_79 = arith.addi %add3A_54, %add3A_78 : i32
      "tpu.region"() ({
        %run_scoped3A = tpu.sem_alloc : memref<!tpu.dma_semaphore, #tpu.memory_space<semaphore_mem>>
        %dma_start3A_89 = arith.constant 0 : i32
        %dma_start3A_90 = tpu.memref_slice %arg8[%add3A_79, %dma_start3A_89] : memref<40x128xi32, #tpu.memory_space<vmem>> -> memref<1x128xi32, #tpu.memory_space<vmem>>
        %dma_start3A_91 = tpu.memref_squeeze %dma_start3A_90 : memref<1x128xi32, #tpu.memory_space<vmem>> -> memref<128xi32, #tpu.memory_space<vmem>>
        %dma_start3A_92 = arith.constant 0 : i32
        %dma_start3A_93 = arith.constant 0 : i32
        %dma_start3A_94 = tpu.memref_slice %arg11[%dma_start3A_92, %dma_start3A_93] : memref<10240x128xf32, #tpu.memory_space<vmem_shared>> -> memref<10240x128xf32, #tpu.memory_space<vmem_shared>>
        tpu.enqueue_indirect_dma source(%arg10 : memref<128x128xf32, #tpu.memory_space<vmem>>) target(%dma_start3A_94 : memref<10240x128xf32, #tpu.memory_space<vmem_shared>>) offsets(%dma_start3A_91 : memref<128xi32, #tpu.memory_space<vmem>>) semaphore(%run_scoped3A : memref<!tpu.dma_semaphore, #tpu.memory_space<semaphore_mem>>) {add = true}
        %dma_wait3A_95 = arith.constant 0 : i32
        %dma_wait3A_96 = tpu.memref_slice %arg8[%add3A_79, %dma_wait3A_95] : memref<40x128xi32, #tpu.memory_space<vmem>> -> memref<1x128xi32, #tpu.memory_space<vmem>>
        %dma_wait3A_97 = tpu.memref_squeeze %dma_wait3A_96 : memref<1x128xi32, #tpu.memory_space<vmem>> -> memref<128xi32, #tpu.memory_space<vmem>>
        %dma_wait3A_98 = arith.constant 0 : i32
        %dma_wait3A_99 = arith.constant 0 : i32
        %dma_wait3A_100 = tpu.memref_slice %arg11[%dma_wait3A_98, %dma_wait3A_99] : memref<10240x128xf32, #tpu.memory_space<vmem_shared>> -> memref<10240x128xf32, #tpu.memory_space<vmem_shared>>
        tpu.wait_indirect_dma semaphore(%run_scoped3A : memref<!tpu.dma_semaphore, #tpu.memory_space<semaphore_mem>>) src(%arg10 : memref<128x128xf32, #tpu.memory_space<vmem>>) dst(%dma_wait3A_100 : memref<10240x128xf32, #tpu.memory_space<vmem_shared>>)
        tpu.yield
      }) : () -> ()
      %add3A_80 = arith.constant 1 : i32
      %add3A_81 = arith.addi %add3A_54, %add3A_80 : i32
      %add3A_82 = arith.constant 2 : i32
      %add3A_83 = arith.addi %add3A_81, %add3A_82 : i32
      %lt3A_84 = arith.constant 40 : i32
      %lt3A_85 = arith.cmpi slt, %add3A_83, %lt3A_84 : i32
      %convert_element_type3A_86 = arith.extui %lt3A_85 : i1 to i32
      %cond3A_87 = arith.constant 0 : i32
      %cond3A_88 = arith.cmpi ne, %convert_element_type3A_86, %cond3A_87 : i32
      scf.if %cond3A_88 {
        %add3A_89 = arith.constant 1 : i32
        %add3A_90 = arith.addi %add3A_54, %add3A_89 : i32
        %add3A_91 = arith.constant 2 : i32
        %add3A_92 = arith.addi %add3A_90, %add3A_91 : i32
        %dma_start3A_93 = arith.constant 0 : i32
        %dma_start3A_94 = tpu.memref_slice %arg7[%add3A_92, %dma_start3A_93] : memref<40x128xi32, #tpu.memory_space<vmem>> -> memref<1x128xi32, #tpu.memory_space<vmem>>
        %dma_start3A_95 = tpu.memref_squeeze %dma_start3A_94 : memref<1x128xi32, #tpu.memory_space<vmem>> -> memref<128xi32, #tpu.memory_space<vmem>>
        %dma_start3A_96 = arith.constant 0 : i32
        %dma_start3A_97 = arith.constant 0 : i32
        %dma_start3A_98 = tpu.memref_slice %arg2[%dma_start3A_96, %dma_start3A_97] : memref<10240x128xf32, #tpu.memory_space<hbm>> -> memref<10240x128xf32, #tpu.memory_space<hbm>>
        tpu.enqueue_indirect_dma source(%dma_start3A_98 : memref<10240x128xf32, #tpu.memory_space<hbm>>) target(%arg10 : memref<128x128xf32, #tpu.memory_space<vmem>>) offsets(%dma_start3A_95 : memref<128xi32, #tpu.memory_space<vmem>>) semaphore(%arg13 : memref<!tpu.dma_semaphore, #tpu.memory_space<semaphore_mem>>)
      } else {
      }
    }
    %scan3A_29 = arith.constant 20 : i32
    "tpu.region"() ({
      %run_scoped3A = tpu.sem_alloc : memref<!tpu.dma_semaphore, #tpu.memory_space<semaphore_mem>>
      %dma_start3A_50 = arith.constant 40 : i32
      %dma_start3A_51 = arith.constant 0 : i32
      %dma_start3A_52 = tpu.memref_slice %arg3[%add3A, %dma_start3A_50, %dma_start3A_51] : memref<32x80x128xi32, #tpu.memory_space<hbm>> -> memref<1x40x128xi32, #tpu.memory_space<hbm>>
      %dma_start3A_53 = tpu.memref_squeeze %dma_start3A_52 : memref<1x40x128xi32, #tpu.memory_space<hbm>> -> memref<40x128xi32, #tpu.memory_space<hbm>>
      %dma_start3A_54 = arith.constant 40 : i32
      %dma_start3A_55 = arith.constant 0 : i32
      %dma_start3A_56 = tpu.memref_slice %arg3[%add3A, %dma_start3A_54, %dma_start3A_55] : memref<32x80x128xi32, #tpu.memory_space<hbm>> -> memref<1x40x128xi32, #tpu.memory_space<hbm>>
      %dma_start3A_57 = tpu.memref_squeeze %dma_start3A_56 : memref<1x40x128xi32, #tpu.memory_space<hbm>> -> memref<40x128xi32, #tpu.memory_space<hbm>>
      tpu.enqueue_dma source(%dma_start3A_57 : memref<40x128xi32, #tpu.memory_space<hbm>>) target(%arg7 : memref<40x128xi32, #tpu.memory_space<vmem>>) target_semaphore(%run_scoped3A : memref<!tpu.dma_semaphore, #tpu.memory_space<semaphore_mem>>)
      %dma_wait3A = arith.constant 40 : i32
      %dma_wait3A_58 = arith.constant 0 : i32
      %dma_wait3A_59 = tpu.memref_slice %arg3[%add3A, %dma_wait3A, %dma_wait3A_58] : memref<32x80x128xi32, #tpu.memory_space<hbm>> -> memref<1x40x128xi32, #tpu.memory_space<hbm>>
      %dma_wait3A_60 = tpu.memref_squeeze %dma_wait3A_59 : memref<1x40x128xi32, #tpu.memory_space<hbm>> -> memref<40x128xi32, #tpu.memory_space<hbm>>
      %dma_wait3A_61 = arith.constant 40 : i32
      %dma_wait3A_62 = arith.constant 0 : i32
      %dma_wait3A_63 = tpu.memref_slice %arg3[%add3A, %dma_wait3A_61, %dma_wait3A_62] : memref<32x80x128xi32, #tpu.memory_space<hbm>> -> memref<1x40x128xi32, #tpu.memory_space<hbm>>
      %dma_wait3A_64 = tpu.memref_squeeze %dma_wait3A_63 : memref<1x40x128xi32, #tpu.memory_space<hbm>> -> memref<40x128xi32, #tpu.memory_space<hbm>>
      tpu.wait_dma2 semaphore(%run_scoped3A : memref<!tpu.dma_semaphore, #tpu.memory_space<semaphore_mem>>) src(%dma_wait3A_64 : memref<40x128xi32, #tpu.memory_space<hbm>>) dst(%arg7 : memref<40x128xi32, #tpu.memory_space<vmem>>)
      tpu.yield
    }) : () -> ()
    "tpu.region"() ({
      %run_scoped3A = tpu.sem_alloc : memref<!tpu.dma_semaphore, #tpu.memory_space<semaphore_mem>>
      %dma_start3A_50 = arith.constant 40 : i32
      %dma_start3A_51 = arith.constant 0 : i32
      %dma_start3A_52 = tpu.memref_slice %arg4[%add3A, %dma_start3A_50, %dma_start3A_51] : memref<32x80x128xi32, #tpu.memory_space<hbm>> -> memref<1x40x128xi32, #tpu.memory_space<hbm>>
      %dma_start3A_53 = tpu.memref_squeeze %dma_start3A_52 : memref<1x40x128xi32, #tpu.memory_space<hbm>> -> memref<40x128xi32, #tpu.memory_space<hbm>>
      %dma_start3A_54 = arith.constant 40 : i32
      %dma_start3A_55 = arith.constant 0 : i32
      %dma_start3A_56 = tpu.memref_slice %arg4[%add3A, %dma_start3A_54, %dma_start3A_55] : memref<32x80x128xi32, #tpu.memory_space<hbm>> -> memref<1x40x128xi32, #tpu.memory_space<hbm>>
      %dma_start3A_57 = tpu.memref_squeeze %dma_start3A_56 : memref<1x40x128xi32, #tpu.memory_space<hbm>> -> memref<40x128xi32, #tpu.memory_space<hbm>>
      tpu.enqueue_dma source(%dma_start3A_57 : memref<40x128xi32, #tpu.memory_space<hbm>>) target(%arg8 : memref<40x128xi32, #tpu.memory_space<vmem>>) target_semaphore(%run_scoped3A : memref<!tpu.dma_semaphore, #tpu.memory_space<semaphore_mem>>)
      %dma_wait3A = arith.constant 40 : i32
      %dma_wait3A_58 = arith.constant 0 : i32
      %dma_wait3A_59 = tpu.memref_slice %arg4[%add3A, %dma_wait3A, %dma_wait3A_58] : memref<32x80x128xi32, #tpu.memory_space<hbm>> -> memref<1x40x128xi32, #tpu.memory_space<hbm>>
      %dma_wait3A_60 = tpu.memref_squeeze %dma_wait3A_59 : memref<1x40x128xi32, #tpu.memory_space<hbm>> -> memref<40x128xi32, #tpu.memory_space<hbm>>
      %dma_wait3A_61 = arith.constant 40 : i32
      %dma_wait3A_62 = arith.constant 0 : i32
      %dma_wait3A_63 = tpu.memref_slice %arg4[%add3A, %dma_wait3A_61, %dma_wait3A_62] : memref<32x80x128xi32, #tpu.memory_space<hbm>> -> memref<1x40x128xi32, #tpu.memory_space<hbm>>
      %dma_wait3A_64 = tpu.memref_squeeze %dma_wait3A_63 : memref<1x40x128xi32, #tpu.memory_space<hbm>> -> memref<40x128xi32, #tpu.memory_space<hbm>>
      tpu.wait_dma2 semaphore(%run_scoped3A : memref<!tpu.dma_semaphore, #tpu.memory_space<semaphore_mem>>) src(%dma_wait3A_64 : memref<40x128xi32, #tpu.memory_space<hbm>>) dst(%arg8 : memref<40x128xi32, #tpu.memory_space<vmem>>)
      tpu.yield
    }) : () -> ()
    %dma_start3A_30 = arith.constant 0 : i32
    %dma_start3A_31 = arith.constant 0 : i32
    %dma_start3A_32 = tpu.memref_slice %arg7[%dma_start3A_30, %dma_start3A_31] : memref<40x128xi32, #tpu.memory_space<vmem>> -> memref<1x128xi32, #tpu.memory_space<vmem>>
    %dma_start3A_33 = tpu.memref_squeeze %dma_start3A_32 : memref<1x128xi32, #tpu.memory_space<vmem>> -> memref<128xi32, #tpu.memory_space<vmem>>
    %dma_start3A_34 = arith.constant 0 : i32
    %dma_start3A_35 = arith.constant 0 : i32
    %dma_start3A_36 = tpu.memref_slice %arg2[%dma_start3A_34, %dma_start3A_35] : memref<10240x128xf32, #tpu.memory_space<hbm>> -> memref<10240x128xf32, #tpu.memory_space<hbm>>
    tpu.enqueue_indirect_dma source(%dma_start3A_36 : memref<10240x128xf32, #tpu.memory_space<hbm>>) target(%arg9 : memref<128x128xf32, #tpu.memory_space<vmem>>) offsets(%dma_start3A_33 : memref<128xi32, #tpu.memory_space<vmem>>) semaphore(%arg12 : memref<!tpu.dma_semaphore, #tpu.memory_space<semaphore_mem>>)
    %dma_start3A_37 = arith.constant 1 : i32
    %dma_start3A_38 = arith.constant 0 : i32
    %dma_start3A_39 = tpu.memref_slice %arg7[%dma_start3A_37, %dma_start3A_38] : memref<40x128xi32, #tpu.memory_space<vmem>> -> memref<1x128xi32, #tpu.memory_space<vmem>>
    %dma_start3A_40 = tpu.memref_squeeze %dma_start3A_39 : memref<1x128xi32, #tpu.memory_space<vmem>> -> memref<128xi32, #tpu.memory_space<vmem>>
    %dma_start3A_41 = arith.constant 0 : i32
    %dma_start3A_42 = arith.constant 0 : i32
    %dma_start3A_43 = tpu.memref_slice %arg2[%dma_start3A_41, %dma_start3A_42] : memref<10240x128xf32, #tpu.memory_space<hbm>> -> memref<10240x128xf32, #tpu.memory_space<hbm>>
    tpu.enqueue_indirect_dma source(%dma_start3A_43 : memref<10240x128xf32, #tpu.memory_space<hbm>>) target(%arg10 : memref<128x128xf32, #tpu.memory_space<vmem>>) offsets(%dma_start3A_40 : memref<128xi32, #tpu.memory_space<vmem>>) semaphore(%arg13 : memref<!tpu.dma_semaphore, #tpu.memory_space<semaphore_mem>>)
    %scan3A_44 = arith.constant 0 : i32
    %scan3A_45 = arith.constant 20 : i32
    %scan3A_46 = arith.addi %scan3A_44, %scan3A_45 : i32
    %scan3A_47 = arith.constant 1 : i32
    scf.for %scan3A_50 = %scan3A_44 to %scan3A_46 step %scan3A_47  : i32 {
      %mul3A_51 = arith.constant 2 : i32
      %mul3A_52 = arith.muli %scan3A_50, %mul3A_51 : i32
      %add3A_53 = arith.constant 0 : i32
      %add3A_54 = arith.addi %add3A_53, %mul3A_52 : i32
      %add3A_55 = arith.constant 0 : i32
      %add3A_56 = arith.addi %add3A_54, %add3A_55 : i32
      %dma_wait3A = arith.constant 0 : i32
      %dma_wait3A_57 = tpu.memref_slice %arg7[%add3A_56, %dma_wait3A] : memref<40x128xi32, #tpu.memory_space<vmem>> -> memref<1x128xi32, #tpu.memory_space<vmem>>
      %dma_wait3A_58 = tpu.memref_squeeze %dma_wait3A_57 : memref<1x128xi32, #tpu.memory_space<vmem>> -> memref<128xi32, #tpu.memory_space<vmem>>
      %dma_wait3A_59 = arith.constant 0 : i32
      %dma_wait3A_60 = arith.constant 0 : i32
      %dma_wait3A_61 = tpu.memref_slice %arg2[%dma_wait3A_59, %dma_wait3A_60] : memref<10240x128xf32, #tpu.memory_space<hbm>> -> memref<10240x128xf32, #tpu.memory_space<hbm>>
      tpu.wait_indirect_dma semaphore(%arg12 : memref<!tpu.dma_semaphore, #tpu.memory_space<semaphore_mem>>) src(%dma_wait3A_61 : memref<10240x128xf32, #tpu.memory_space<hbm>>) dst(%arg9 : memref<128x128xf32, #tpu.memory_space<vmem>>)
      %add3A_62 = arith.constant 0 : i32
      %add3A_63 = arith.addi %add3A_54, %add3A_62 : i32
      "tpu.region"() ({
        %run_scoped3A = tpu.sem_alloc : memref<!tpu.dma_semaphore, #tpu.memory_space<semaphore_mem>>
        %dma_start3A_89 = arith.constant 0 : i32
        %dma_start3A_90 = tpu.memref_slice %arg8[%add3A_63, %dma_start3A_89] : memref<40x128xi32, #tpu.memory_space<vmem>> -> memref<1x128xi32, #tpu.memory_space<vmem>>
        %dma_start3A_91 = tpu.memref_squeeze %dma_start3A_90 : memref<1x128xi32, #tpu.memory_space<vmem>> -> memref<128xi32, #tpu.memory_space<vmem>>
        %dma_start3A_92 = arith.constant 0 : i32
        %dma_start3A_93 = arith.constant 0 : i32
        %dma_start3A_94 = tpu.memref_slice %arg11[%dma_start3A_92, %dma_start3A_93] : memref<10240x128xf32, #tpu.memory_space<vmem_shared>> -> memref<10240x128xf32, #tpu.memory_space<vmem_shared>>
        tpu.enqueue_indirect_dma source(%arg9 : memref<128x128xf32, #tpu.memory_space<vmem>>) target(%dma_start3A_94 : memref<10240x128xf32, #tpu.memory_space<vmem_shared>>) offsets(%dma_start3A_91 : memref<128xi32, #tpu.memory_space<vmem>>) semaphore(%run_scoped3A : memref<!tpu.dma_semaphore, #tpu.memory_space<semaphore_mem>>) {add = true}
        %dma_wait3A_95 = arith.constant 0 : i32
        %dma_wait3A_96 = tpu.memref_slice %arg8[%add3A_63, %dma_wait3A_95] : memref<40x128xi32, #tpu.memory_space<vmem>> -> memref<1x128xi32, #tpu.memory_space<vmem>>
        %dma_wait3A_97 = tpu.memref_squeeze %dma_wait3A_96 : memref<1x128xi32, #tpu.memory_space<vmem>> -> memref<128xi32, #tpu.memory_space<vmem>>
        %dma_wait3A_98 = arith.constant 0 : i32
        %dma_wait3A_99 = arith.constant 0 : i32
        %dma_wait3A_100 = tpu.memref_slice %arg11[%dma_wait3A_98, %dma_wait3A_99] : memref<10240x128xf32, #tpu.memory_space<vmem_shared>> -> memref<10240x128xf32, #tpu.memory_space<vmem_shared>>
        tpu.wait_indirect_dma semaphore(%run_scoped3A : memref<!tpu.dma_semaphore, #tpu.memory_space<semaphore_mem>>) src(%arg9 : memref<128x128xf32, #tpu.memory_space<vmem>>) dst(%dma_wait3A_100 : memref<10240x128xf32, #tpu.memory_space<vmem_shared>>)
        tpu.yield
      }) : () -> ()
      %add3A_64 = arith.constant 0 : i32
      %add3A_65 = arith.addi %add3A_54, %add3A_64 : i32
      %add3A_66 = arith.constant 2 : i32
      %add3A_67 = arith.addi %add3A_65, %add3A_66 : i32
      %lt3A = arith.constant 40 : i32
      %lt3A_68 = arith.cmpi slt, %add3A_67, %lt3A : i32
      %convert_element_type3A = arith.extui %lt3A_68 : i1 to i32
      %cond3A = arith.constant 0 : i32
      %cond3A_69 = arith.cmpi ne, %convert_element_type3A, %cond3A : i32
      scf.if %cond3A_69 {
        %add3A_89 = arith.constant 0 : i32
        %add3A_90 = arith.addi %add3A_54, %add3A_89 : i32
        %add3A_91 = arith.constant 2 : i32
        %add3A_92 = arith.addi %add3A_90, %add3A_91 : i32
        %dma_start3A_93 = arith.constant 0 : i32
        %dma_start3A_94 = tpu.memref_slice %arg7[%add3A_92, %dma_start3A_93] : memref<40x128xi32, #tpu.memory_space<vmem>> -> memref<1x128xi32, #tpu.memory_space<vmem>>
        %dma_start3A_95 = tpu.memref_squeeze %dma_start3A_94 : memref<1x128xi32, #tpu.memory_space<vmem>> -> memref<128xi32, #tpu.memory_space<vmem>>
        %dma_start3A_96 = arith.constant 0 : i32
        %dma_start3A_97 = arith.constant 0 : i32
        %dma_start3A_98 = tpu.memref_slice %arg2[%dma_start3A_96, %dma_start3A_97] : memref<10240x128xf32, #tpu.memory_space<hbm>> -> memref<10240x128xf32, #tpu.memory_space<hbm>>
        tpu.enqueue_indirect_dma source(%dma_start3A_98 : memref<10240x128xf32, #tpu.memory_space<hbm>>) target(%arg9 : memref<128x128xf32, #tpu.memory_space<vmem>>) offsets(%dma_start3A_95 : memref<128xi32, #tpu.memory_space<vmem>>) semaphore(%arg12 : memref<!tpu.dma_semaphore, #tpu.memory_space<semaphore_mem>>)
      } else {
      }
      %add3A_70 = arith.constant 1 : i32
      %add3A_71 = arith.addi %add3A_54, %add3A_70 : i32
      %dma_wait3A_72 = arith.constant 0 : i32
      %dma_wait3A_73 = tpu.memref_slice %arg7[%add3A_71, %dma_wait3A_72] : memref<40x128xi32, #tpu.memory_space<vmem>> -> memref<1x128xi32, #tpu.memory_space<vmem>>
      %dma_wait3A_74 = tpu.memref_squeeze %dma_wait3A_73 : memref<1x128xi32, #tpu.memory_space<vmem>> -> memref<128xi32, #tpu.memory_space<vmem>>
      %dma_wait3A_75 = arith.constant 0 : i32
      %dma_wait3A_76 = arith.constant 0 : i32
      %dma_wait3A_77 = tpu.memref_slice %arg2[%dma_wait3A_75, %dma_wait3A_76] : memref<10240x128xf32, #tpu.memory_space<hbm>> -> memref<10240x128xf32, #tpu.memory_space<hbm>>
      tpu.wait_indirect_dma semaphore(%arg13 : memref<!tpu.dma_semaphore, #tpu.memory_space<semaphore_mem>>) src(%dma_wait3A_77 : memref<10240x128xf32, #tpu.memory_space<hbm>>) dst(%arg10 : memref<128x128xf32, #tpu.memory_space<vmem>>)
      %add3A_78 = arith.constant 1 : i32
      %add3A_79 = arith.addi %add3A_54, %add3A_78 : i32
      "tpu.region"() ({
        %run_scoped3A = tpu.sem_alloc : memref<!tpu.dma_semaphore, #tpu.memory_space<semaphore_mem>>
        %dma_start3A_89 = arith.constant 0 : i32
        %dma_start3A_90 = tpu.memref_slice %arg8[%add3A_79, %dma_start3A_89] : memref<40x128xi32, #tpu.memory_space<vmem>> -> memref<1x128xi32, #tpu.memory_space<vmem>>
        %dma_start3A_91 = tpu.memref_squeeze %dma_start3A_90 : memref<1x128xi32, #tpu.memory_space<vmem>> -> memref<128xi32, #tpu.memory_space<vmem>>
        %dma_start3A_92 = arith.constant 0 : i32
        %dma_start3A_93 = arith.constant 0 : i32
        %dma_start3A_94 = tpu.memref_slice %arg11[%dma_start3A_92, %dma_start3A_93] : memref<10240x128xf32, #tpu.memory_space<vmem_shared>> -> memref<10240x128xf32, #tpu.memory_space<vmem_shared>>
        tpu.enqueue_indirect_dma source(%arg10 : memref<128x128xf32, #tpu.memory_space<vmem>>) target(%dma_start3A_94 : memref<10240x128xf32, #tpu.memory_space<vmem_shared>>) offsets(%dma_start3A_91 : memref<128xi32, #tpu.memory_space<vmem>>) semaphore(%run_scoped3A : memref<!tpu.dma_semaphore, #tpu.memory_space<semaphore_mem>>) {add = true}
        %dma_wait3A_95 = arith.constant 0 : i32
        %dma_wait3A_96 = tpu.memref_slice %arg8[%add3A_79, %dma_wait3A_95] : memref<40x128xi32, #tpu.memory_space<vmem>> -> memref<1x128xi32, #tpu.memory_space<vmem>>
        %dma_wait3A_97 = tpu.memref_squeeze %dma_wait3A_96 : memref<1x128xi32, #tpu.memory_space<vmem>> -> memref<128xi32, #tpu.memory_space<vmem>>
        %dma_wait3A_98 = arith.constant 0 : i32
        %dma_wait3A_99 = arith.constant 0 : i32
        %dma_wait3A_100 = tpu.memref_slice %arg11[%dma_wait3A_98, %dma_wait3A_99] : memref<10240x128xf32, #tpu.memory_space<vmem_shared>> -> memref<10240x128xf32, #tpu.memory_space<vmem_shared>>
        tpu.wait_indirect_dma semaphore(%run_scoped3A : memref<!tpu.dma_semaphore, #tpu.memory_space<semaphore_mem>>) src(%arg10 : memref<128x128xf32, #tpu.memory_space<vmem>>) dst(%dma_wait3A_100 : memref<10240x128xf32, #tpu.memory_space<vmem_shared>>)
        tpu.yield
      }) : () -> ()
      %add3A_80 = arith.constant 1 : i32
      %add3A_81 = arith.addi %add3A_54, %add3A_80 : i32
      %add3A_82 = arith.constant 2 : i32
      %add3A_83 = arith.addi %add3A_81, %add3A_82 : i32
      %lt3A_84 = arith.constant 40 : i32
      %lt3A_85 = arith.cmpi slt, %add3A_83, %lt3A_84 : i32
      %convert_element_type3A_86 = arith.extui %lt3A_85 : i1 to i32
      %cond3A_87 = arith.constant 0 : i32
      %cond3A_88 = arith.cmpi ne, %convert_element_type3A_86, %cond3A_87 : i32
      scf.if %cond3A_88 {
        %add3A_89 = arith.constant 1 : i32
        %add3A_90 = arith.addi %add3A_54, %add3A_89 : i32
        %add3A_91 = arith.constant 2 : i32
        %add3A_92 = arith.addi %add3A_90, %add3A_91 : i32
        %dma_start3A_93 = arith.constant 0 : i32
        %dma_start3A_94 = tpu.memref_slice %arg7[%add3A_92, %dma_start3A_93] : memref<40x128xi32, #tpu.memory_space<vmem>> -> memref<1x128xi32, #tpu.memory_space<vmem>>
        %dma_start3A_95 = tpu.memref_squeeze %dma_start3A_94 : memref<1x128xi32, #tpu.memory_space<vmem>> -> memref<128xi32, #tpu.memory_space<vmem>>
        %dma_start3A_96 = arith.constant 0 : i32
        %dma_start3A_97 = arith.constant 0 : i32
        %dma_start3A_98 = tpu.memref_slice %arg2[%dma_start3A_96, %dma_start3A_97] : memref<10240x128xf32, #tpu.memory_space<hbm>> -> memref<10240x128xf32, #tpu.memory_space<hbm>>
        tpu.enqueue_indirect_dma source(%dma_start3A_98 : memref<10240x128xf32, #tpu.memory_space<hbm>>) target(%arg10 : memref<128x128xf32, #tpu.memory_space<vmem>>) offsets(%dma_start3A_95 : memref<128xi32, #tpu.memory_space<vmem>>) semaphore(%arg13 : memref<!tpu.dma_semaphore, #tpu.memory_space<semaphore_mem>>)
      } else {
      }
    }
    %scan3A_48 = arith.constant 20 : i32
    %barrier3A_49 = arith.constant 0 : index
    tpu.barrier barrier_id(%barrier3A_49)
    "tpu.region"() ({
      %run_scoped3A = tpu.sem_alloc : memref<!tpu.dma_semaphore, #tpu.memory_space<semaphore_mem>>
      %dma_start3A_50 = arith.constant 0 : i32
      %dma_start3A_51 = tpu.memref_slice %arg6[%arg0, %mul3A_2, %dma_start3A_50] : memref<2x10240x128xf32, #tpu.memory_space<hbm>> -> memref<1x640x128xf32, #tpu.memory_space<hbm>>
      %dma_start3A_52 = tpu.memref_squeeze %dma_start3A_51 : memref<1x640x128xf32, #tpu.memory_space<hbm>> -> memref<640x128xf32, #tpu.memory_space<hbm>>
      %dma_start3A_53 = arith.constant 0 : i32
      %dma_start3A_54 = tpu.memref_slice %arg11[%mul3A_2, %dma_start3A_53] : memref<10240x128xf32, #tpu.memory_space<vmem_shared>> -> memref<640x128xf32, #tpu.memory_space<vmem_shared>>
      tpu.enqueue_dma source(%dma_start3A_54 : memref<640x128xf32, #tpu.memory_space<vmem_shared>>) target(%dma_start3A_52 : memref<640x128xf32, #tpu.memory_space<hbm>>) target_semaphore(%run_scoped3A : memref<!tpu.dma_semaphore, #tpu.memory_space<semaphore_mem>>)
      %dma_wait3A = arith.constant 0 : i32
      %dma_wait3A_55 = tpu.memref_slice %arg6[%arg0, %mul3A_2, %dma_wait3A] : memref<2x10240x128xf32, #tpu.memory_space<hbm>> -> memref<1x640x128xf32, #tpu.memory_space<hbm>>
      %dma_wait3A_56 = tpu.memref_squeeze %dma_wait3A_55 : memref<1x640x128xf32, #tpu.memory_space<hbm>> -> memref<640x128xf32, #tpu.memory_space<hbm>>
      %dma_wait3A_57 = arith.constant 0 : i32
      %dma_wait3A_58 = tpu.memref_slice %arg11[%mul3A_2, %dma_wait3A_57] : memref<10240x128xf32, #tpu.memory_space<vmem_shared>> -> memref<640x128xf32, #tpu.memory_space<vmem_shared>>
      tpu.wait_dma2 semaphore(%run_scoped3A : memref<!tpu.dma_semaphore, #tpu.memory_space<semaphore_mem>>) src(%dma_wait3A_58 : memref<640x128xf32, #tpu.memory_space<vmem_shared>>) dst(%dma_wait3A_56 : memref<640x128xf32, #tpu.memory_space<hbm>>)
      tpu.yield
    }) : () -> ()
    return
  }
}

module attributes {stable_mosaic.version = 14 : i64} {
  func.func @body(%arg0: i32, %arg1: memref<2x512x16xf32, #tpu.memory_space<vmem>>, %arg2: memref<512x128xf32, #tpu.memory_space<vmem>>, %arg3: memref<512x128xf32, #tpu.memory_space<vmem>>, %arg4: memref<512x128xf32, #tpu.memory_space<vmem>>) attributes {dimension_semantics = [#tpu.dimension_semantics<arbitrary>], iteration_bounds = array<i64: 20>, scalar_prefetch = 0 : i64, scratch_operands = 0 : i64, tpu.core_type = #tpu.core_type<tc>, window_params = [{transform_indices = @transform_0, window_bounds = array<i64: 2, 512, 16>}, {transform_indices = @transform_1, window_bounds = array<i64: 512, 128>}, {transform_indices = @transform_2, window_bounds = array<i64: 512, 128>}, {transform_indices = @transform_3, window_bounds = array<i64: 512, 128>}]} {
    %get3A = arith.constant 0 : index
    %get3A_0 = arith.constant 0 : index
    %get3A_1 = arith.constant 0 : index
    %get3A_2 = vector.load %arg1[%get3A, %get3A_0, %get3A_1] : memref<2x512x16xf32, #tpu.memory_space<vmem>>, vector<2x512x16xf32>
    %slice3A = vector.extract_strided_slice %get3A_2 {offsets = [0, 0, 0], sizes = [1, 512, 1], strides = [1, 1, 1]} : vector<2x512x16xf32> to vector<1x512x1xf32>
    %squeeze3A = vector.shape_cast %slice3A : vector<1x512x1xf32> to vector<512x1xf32>
    %slice3A_3 = vector.extract_strided_slice %get3A_2 {offsets = [1, 0, 0], sizes = [1, 512, 1], strides = [1, 1, 1]} : vector<2x512x16xf32> to vector<1x512x1xf32>
    %squeeze3A_4 = vector.shape_cast %slice3A_3 : vector<1x512x1xf32> to vector<512x1xf32>
    %add3A = arith.addf %squeeze3A, %squeeze3A_4 : vector<512x1xf32>
    %add3A_5 = arith.constant 1.000000e+00 : f32
    %add3A_6 = vector.broadcast %add3A_5 : f32 to vector<512x1xf32>
    %add3A_7 = arith.addf %add3A, %add3A_6 : vector<512x1xf32>
    %rsqrt3A = math.rsqrt %add3A_7 : vector<512x1xf32>
    %broadcast_in_dim3A = vector.shape_cast %rsqrt3A : vector<512x1xf32> to vector<512x1xf32>
    %broadcast_in_dim3A_8 = vector.broadcast %broadcast_in_dim3A : vector<512x1xf32> to vector<512x128xf32>
    %swap3A = arith.constant 0 : index
    %swap3A_9 = arith.constant 0 : index
    %swap3A_10 = vector.load %arg3[%swap3A, %swap3A_9] : memref<512x128xf32, #tpu.memory_space<vmem>>, vector<512x128xf32>
    tpu.vector_store %arg3[%swap3A, %swap3A_9], %broadcast_in_dim3A_8 {strides = array<i32>} : memref<512x128xf32, #tpu.memory_space<vmem>>, vector<512x128xf32>,
    %get3A_11 = arith.constant 0 : index
    %get3A_12 = arith.constant 0 : index
    %get3A_13 = vector.load %arg2[%get3A_11, %get3A_12] : memref<512x128xf32, #tpu.memory_space<vmem>>, vector<512x128xf32>
    %mul3A = arith.mulf %get3A_13, %broadcast_in_dim3A_8 : vector<512x128xf32>
    %swap3A_14 = arith.constant 0 : index
    %swap3A_15 = arith.constant 0 : index
    %swap3A_16 = vector.load %arg4[%swap3A_14, %swap3A_15] : memref<512x128xf32, #tpu.memory_space<vmem>>, vector<512x128xf32>
    tpu.vector_store %arg4[%swap3A_14, %swap3A_15], %mul3A {strides = array<i32>} : memref<512x128xf32, #tpu.memory_space<vmem>>, vector<512x128xf32>,
    return
  }
  func.func @transform_0(%arg0: i32) -> (i32, i32, i32) {
    %c0_i32 = arith.constant 0 : i32
    %c0_i32_0 = arith.constant 0 : i32
    %c0_i32_1 = arith.constant 0 : i32
    return %c0_i32, %arg0, %c0_i32_0 : i32, i32, i32
  }
  func.func @transform_1(%arg0: i32) -> (i32, i32) {
    %c0_i32 = arith.constant 0 : i32
    %c0_i32_0 = arith.constant 0 : i32
    return %arg0, %c0_i32 : i32, i32
  }
  func.func @transform_2(%arg0: i32) -> (i32, i32) {
    %c0_i32 = arith.constant 0 : i32
    %c0_i32_0 = arith.constant 0 : i32
    return %arg0, %c0_i32 : i32, i32
  }
  func.func @transform_3(%arg0: i32) -> (i32, i32) {
    %c0_i32 = arith.constant 0 : i32
    %c0_i32_0 = arith.constant 0 : i32
    return %arg0, %c0_i32 : i32, i32
  }
}

module attributes {stable_mosaic.version = 14 : i64} {
  func.func @body(%arg0: i32, %arg1: memref<2x512x128xf32, #tpu.memory_space<vmem>>, %arg2: memref<512x128xf32, #tpu.memory_space<vmem>>, %arg3: memref<512x128xf32, #tpu.memory_space<vmem>>, %arg4: memref<128x200xf32, #tpu.memory_space<vmem>>, %arg5: memref<1x200xf32, #tpu.memory_space<vmem>>, %arg6: memref<200x48xf32, #tpu.memory_space<vmem>>, %arg7: memref<512x48xf32, #tpu.memory_space<vmem>>) attributes {dimension_semantics = [#tpu.dimension_semantics<arbitrary>], iteration_bounds = array<i64: 20>, scalar_prefetch = 0 : i64, scratch_operands = 0 : i64, tpu.core_type = #tpu.core_type<tc>, window_params = [{transform_indices = @transform_0, window_bounds = array<i64: 2, 512, 128>}, {transform_indices = @transform_1, window_bounds = array<i64: 512, 128>}, {transform_indices = @transform_2, window_bounds = array<i64: 512, 128>}, {pipeline_mode = #tpu.pipeline_mode<synchronous>, transform_indices = @transform_3, window_bounds = array<i64: 128, 200>}, {pipeline_mode = #tpu.pipeline_mode<synchronous>, transform_indices = @transform_4, window_bounds = array<i64: 1, 200>}, {pipeline_mode = #tpu.pipeline_mode<synchronous>, transform_indices = @transform_5, window_bounds = array<i64: 200, 48>}, {transform_indices = @transform_6, window_bounds = array<i64: 512, 48>}]} {
    %get3A = arith.constant 0 : index
    %get3A_0 = arith.constant 0 : index
    %get3A_1 = arith.constant 0 : index
    %get3A_2 = vector.load %arg1[%get3A, %get3A_0, %get3A_1] : memref<2x512x128xf32, #tpu.memory_space<vmem>>, vector<2x512x128xf32>
    %get3A_3 = arith.constant 0 : index
    %get3A_4 = arith.constant 0 : index
    %get3A_5 = vector.load %arg3[%get3A_3, %get3A_4] : memref<512x128xf32, #tpu.memory_space<vmem>>, vector<512x128xf32>
    %slice3A = vector.extract_strided_slice %get3A_2 {offsets = [0, 0, 0], sizes = [1, 512, 128], strides = [1, 1, 1]} : vector<2x512x128xf32> to vector<1x512x128xf32>
    %squeeze3A = vector.shape_cast %slice3A : vector<1x512x128xf32> to vector<512x128xf32>
    %slice3A_6 = vector.extract_strided_slice %get3A_2 {offsets = [1, 0, 0], sizes = [1, 512, 128], strides = [1, 1, 1]} : vector<2x512x128xf32> to vector<1x512x128xf32>
    %squeeze3A_7 = vector.shape_cast %slice3A_6 : vector<1x512x128xf32> to vector<512x128xf32>
    %add3A = arith.addf %squeeze3A, %squeeze3A_7 : vector<512x128xf32>
    %get3A_8 = arith.constant 0 : index
    %get3A_9 = arith.constant 0 : index
    %get3A_10 = vector.load %arg2[%get3A_8, %get3A_9] : memref<512x128xf32, #tpu.memory_space<vmem>>, vector<512x128xf32>
    %add3A_11 = arith.addf %add3A, %get3A_10 : vector<512x128xf32>
    %mul3A = arith.mulf %add3A_11, %get3A_5 : vector<512x128xf32>
    %get3A_12 = arith.constant 0 : index
    %get3A_13 = arith.constant 0 : index
    %get3A_14 = vector.load %arg4[%get3A_12, %get3A_13] : memref<128x200xf32, #tpu.memory_space<vmem>>, vector<128x200xf32>
    %dot_general3A = arith.constant dense<0.000000e+00> : vector<512x200xf32>
    %dot_general3A_15 = tpu.matmul %mul3A, %get3A_14, %dot_general3A {dimension_numbers = #tpu.dot_dimension_numbers<[1], [0], [0], [1], [0, 0, 1, 1], [], []>, transpose_lhs_hint = false} : vector<512x128xf32>, vector<128x200xf32>, vector<512x200xf32> -> vector<512x200xf32>
    %get3A_16 = arith.constant 0 : index
    %get3A_17 = arith.constant 0 : index
    %get3A_18 = vector.load %arg5[%get3A_16, %get3A_17] : memref<1x200xf32, #tpu.memory_space<vmem>>, vector<1x200xf32>
    %add3A_19 = vector.broadcast %get3A_18 : vector<1x200xf32> to vector<512x200xf32>
    %add3A_20 = arith.addf %dot_general3A_15, %add3A_19 : vector<512x200xf32>
    %max3A = arith.constant 0.000000e+00 : f32
    %max3A_21 = vector.broadcast %max3A : f32 to vector<512x200xf32>
    %max3A_22 = arith.maximumf %add3A_20, %max3A_21 : vector<512x200xf32>
    %get3A_23 = arith.constant 0 : index
    %get3A_24 = arith.constant 0 : index
    %get3A_25 = vector.load %arg6[%get3A_23, %get3A_24] : memref<200x48xf32, #tpu.memory_space<vmem>>, vector<200x48xf32>
    %dot_general3A_26 = arith.constant dense<0.000000e+00> : vector<512x48xf32>
    %dot_general3A_27 = tpu.matmul %max3A_22, %get3A_25, %dot_general3A_26 {dimension_numbers = #tpu.dot_dimension_numbers<[1], [0], [0], [1], [0, 0, 1, 1], [], []>, transpose_lhs_hint = false} : vector<512x200xf32>, vector<200x48xf32>, vector<512x48xf32> -> vector<512x48xf32>
    %slice3A_28 = vector.extract_strided_slice %get3A_5 {offsets = [0, 0], sizes = [512, 48], strides = [1, 1]} : vector<512x128xf32> to vector<512x48xf32>
    %mul3A_29 = arith.mulf %dot_general3A_27, %slice3A_28 : vector<512x48xf32>
    %swap3A = arith.constant 0 : index
    %swap3A_30 = arith.constant 0 : index
    %swap3A_31 = vector.load %arg7[%swap3A, %swap3A_30] : memref<512x48xf32, #tpu.memory_space<vmem>>, vector<512x48xf32>
    tpu.vector_store %arg7[%swap3A, %swap3A_30], %mul3A_29 {strides = array<i32>} : memref<512x48xf32, #tpu.memory_space<vmem>>, vector<512x48xf32>,
    return
  }
  func.func @transform_0(%arg0: i32) -> (i32, i32, i32) {
    %c0_i32 = arith.constant 0 : i32
    %c0_i32_0 = arith.constant 0 : i32
    %c0_i32_1 = arith.constant 0 : i32
    return %c0_i32, %arg0, %c0_i32_0 : i32, i32, i32
  }
  func.func @transform_1(%arg0: i32) -> (i32, i32) {
    %c0_i32 = arith.constant 0 : i32
    %c0_i32_0 = arith.constant 0 : i32
    return %arg0, %c0_i32 : i32, i32
  }
  func.func @transform_2(%arg0: i32) -> (i32, i32) {
    %c0_i32 = arith.constant 0 : i32
    %c0_i32_0 = arith.constant 0 : i32
    return %arg0, %c0_i32 : i32, i32
  }
  func.func @transform_3(%arg0: i32) -> (i32, i32) {
    %c0_i32 = arith.constant 0 : i32
    %c0_i32_0 = arith.constant 0 : i32
    %c0_i32_1 = arith.constant 0 : i32
    return %c0_i32, %c0_i32_0 : i32, i32
  }
  func.func @transform_4(%arg0: i32) -> (i32, i32) {
    %c0_i32 = arith.constant 0 : i32
    %c0_i32_0 = arith.constant 0 : i32
    %c0_i32_1 = arith.constant 0 : i32
    return %c0_i32, %c0_i32_0 : i32, i32
  }
  func.func @transform_5(%arg0: i32) -> (i32, i32) {
    %c0_i32 = arith.constant 0 : i32
    %c0_i32_0 = arith.constant 0 : i32
    %c0_i32_1 = arith.constant 0 : i32
    return %c0_i32, %c0_i32_0 : i32, i32
  }
  func.func @transform_6(%arg0: i32) -> (i32, i32) {
    %c0_i32 = arith.constant 0 : i32
    %c0_i32_0 = arith.constant 0 : i32
    return %arg0, %c0_i32 : i32, i32
  }
}

module attributes {stable_mosaic.version = 14 : i64} {
  func.func @body(%arg0: i32, %arg1: memref<2x512x48xf32, #tpu.memory_space<vmem>>, %arg2: memref<512x48xf32, #tpu.memory_space<vmem>>, %arg3: memref<512x128xf32, #tpu.memory_space<vmem>>, %arg4: memref<1x48xf32, #tpu.memory_space<vmem>>, %arg5: memref<512x48xf32, #tpu.memory_space<vmem>>) attributes {dimension_semantics = [#tpu.dimension_semantics<arbitrary>], iteration_bounds = array<i64: 20>, scalar_prefetch = 0 : i64, scratch_operands = 0 : i64, tpu.core_type = #tpu.core_type<tc>, window_params = [{transform_indices = @transform_0, window_bounds = array<i64: 2, 512, 48>}, {transform_indices = @transform_1, window_bounds = array<i64: 512, 48>}, {transform_indices = @transform_2, window_bounds = array<i64: 512, 128>}, {pipeline_mode = #tpu.pipeline_mode<synchronous>, transform_indices = @transform_3, window_bounds = array<i64: 1, 48>}, {transform_indices = @transform_4, window_bounds = array<i64: 512, 48>}]} {
    %get3A = arith.constant 0 : index
    %get3A_0 = arith.constant 0 : index
    %get3A_1 = arith.constant 0 : index
    %get3A_2 = vector.load %arg1[%get3A, %get3A_0, %get3A_1] : memref<2x512x48xf32, #tpu.memory_space<vmem>>, vector<2x512x48xf32>
    %slice3A = vector.extract_strided_slice %get3A_2 {offsets = [0, 0, 0], sizes = [1, 512, 48], strides = [1, 1, 1]} : vector<2x512x48xf32> to vector<1x512x48xf32>
    %squeeze3A = vector.shape_cast %slice3A : vector<1x512x48xf32> to vector<512x48xf32>
    %slice3A_3 = vector.extract_strided_slice %get3A_2 {offsets = [1, 0, 0], sizes = [1, 512, 48], strides = [1, 1, 1]} : vector<2x512x48xf32> to vector<1x512x48xf32>
    %squeeze3A_4 = vector.shape_cast %slice3A_3 : vector<1x512x48xf32> to vector<512x48xf32>
    %add3A = arith.addf %squeeze3A, %squeeze3A_4 : vector<512x48xf32>
    %get3A_5 = arith.constant 0 : index
    %get3A_6 = arith.constant 0 : index
    %get3A_7 = vector.load %arg2[%get3A_5, %get3A_6] : memref<512x48xf32, #tpu.memory_space<vmem>>, vector<512x48xf32>
    %add3A_8 = arith.addf %add3A, %get3A_7 : vector<512x48xf32>
    %get3A_9 = arith.constant 0 : index
    %get3A_10 = arith.constant 0 : index
    %get3A_11 = vector.load %arg3[%get3A_9, %get3A_10] : memref<512x128xf32, #tpu.memory_space<vmem>>, vector<512x48xf32>
    %mul3A = arith.mulf %add3A_8, %get3A_11 : vector<512x48xf32>
    %get3A_12 = arith.constant 0 : index
    %get3A_13 = arith.constant 0 : index
    %get3A_14 = vector.load %arg4[%get3A_12, %get3A_13] : memref<1x48xf32, #tpu.memory_space<vmem>>, vector<1x48xf32>
    %add3A_15 = vector.broadcast %get3A_14 : vector<1x48xf32> to vector<512x48xf32>
    %add3A_16 = arith.addf %mul3A, %add3A_15 : vector<512x48xf32>
    %max3A = arith.constant 0.000000e+00 : f32
    %max3A_17 = vector.broadcast %max3A : f32 to vector<512x48xf32>
    %max3A_18 = arith.maximumf %add3A_16, %max3A_17 : vector<512x48xf32>
    %swap3A = arith.constant 0 : index
    %swap3A_19 = arith.constant 0 : index
    %swap3A_20 = vector.load %arg5[%swap3A, %swap3A_19] : memref<512x48xf32, #tpu.memory_space<vmem>>, vector<512x48xf32>
    tpu.vector_store %arg5[%swap3A, %swap3A_19], %max3A_18 {strides = array<i32>} : memref<512x48xf32, #tpu.memory_space<vmem>>, vector<512x48xf32>,
    return
  }
  func.func @transform_0(%arg0: i32) -> (i32, i32, i32) {
    %c0_i32 = arith.constant 0 : i32
    %c0_i32_0 = arith.constant 0 : i32
    %c0_i32_1 = arith.constant 0 : i32
    return %c0_i32, %arg0, %c0_i32_0 : i32, i32, i32
  }
  func.func @transform_1(%arg0: i32) -> (i32, i32) {
    %c0_i32 = arith.constant 0 : i32
    %c0_i32_0 = arith.constant 0 : i32
    return %arg0, %c0_i32 : i32, i32
  }
  func.func @transform_2(%arg0: i32) -> (i32, i32) {
    %c0_i32 = arith.constant 0 : i32
    %c0_i32_0 = arith.constant 0 : i32
    return %arg0, %c0_i32 : i32, i32
  }
  func.func @transform_3(%arg0: i32) -> (i32, i32) {
    %c0_i32 = arith.constant 0 : i32
    %c0_i32_0 = arith.constant 0 : i32
    %c0_i32_1 = arith.constant 0 : i32
    return %c0_i32, %c0_i32_0 : i32, i32
  }
  func.func @transform_4(%arg0: i32) -> (i32, i32) {
    %c0_i32 = arith.constant 0 : i32
    %c0_i32_0 = arith.constant 0 : i32
    return %arg0, %c0_i32 : i32, i32
  }
}

</mosaic_0001>

<sc_bundles>
// kernel: kernel.11.cloned.1.call-start
scs
__scs_entry_jumppad:
0x0: {  	(pc) =	sbr.rel $0x88, $3  }
0x1: {  	(tag) =	ssettag $0x0;
	lr =	simm.s32 $0x1  }
0x2: {  	[smem:$0x3F9B] =	sst lr;
	_ =	strace $0xD0000000  }
0x3: {  	_ = 	snop  }
0x4: {  	_ = 	snop  }
0x5: {  	_ = 	snop  }
0x6: {  	_ = 	snop  }
0x7: {  	_ = 	snop  }
__scs_overlays_trampoline_lowered:
0x8: {  	[smem:$0x3FAA] =	sst s0  }
0x9: {  	[smem:$0x3FAB] =	sst s1  }
0xa: {  	[smem:$0x3FAC] =	sst s2  }
0xb: {  	[smem:$0x3FAD] =	sst s3  }
0xc: {  	[smem:$0x3FAE] =	sst s4  }
0xd: {  	[smem:$0x3FAF] =	sst s5  }
0xe: {  	[smem:$0x3FB0] =	sst s6  }
0xf: {  	[smem:$0x3FB1] =	sst s7  }
0x10: {  	[smem:$0x3FB2] =	sst s8  }
0x11: {  	[smem:$0x3FB3] =	sst s9;
	s0 =	simm.s32 @!p0 $0x0  }
0x12: {  	s1 =	sld [smem:$0x3F99];
	s0 =	simm.s32 @p0 $0x1  }
0x13: {  	[smem:$0x3FB4] =	sst s0;
	s0 =	simm.s32 @!p1 $0x0  }
0x14: {  	s2 =	sld [smem:$0x3F98];
	s0 =	simm.s32 @p1 $0x1  }
0x15: {  	[smem:$0x3FB5] =	sst s0;
	s0 =	simm.s32 @!p2 $0x0  }
0x16: {  	s3 =	sld [smem:$0x3FDB];
	s0 =	simm.s32 @p2 $0x1  }
0x17: {  	s4 =	simm.s32 $0x1BF5;
	[smem:$0x3FB7] =	sst s0  }
0x18: {  	s0 =	sld [smem:$0x3F9A];
	_ =	swait.ge [sflag:s4], $0x0  }
0x19: {  	s7 =	sld [smem:$0x3F9B]  }
0x1a: {  	s8 =	sadd.s32 $0xFFFFE003, lr  }
0x1b: {  	s9 =	sadd.s32 $0xFFFFFEF7, lr;
	s5 =	simm.s32 $0xFFFFFFFF;
	p2 =	slt.u32 s8, $0xFFFFF086  }
0x1c: {  	p1 =	slt.u32 s9, $0xF7A;
	s5 =	simm.s32 @!p2 $0x0  }
0x1d: {  	s5 =	simm.s32 @p1 $0x1;
	p0 =	seq.s32 s7, s2  }
0x1e: {  	s7 =	smul.u32 @!p0 $0xF7A, s2;
	p2 =	seq.s32 @!p0 s5, $0x0  }
0x1f: {  	s9 =	smul.u32 $0xF7A, s1;
	s8 =	simm.s32 @!p0 $0x1BF5;
	p2 =	por !p2, p0  }
0x20: {  	[sflag:s8] =	ssyncset.s32 @!p0 $0xFFFFF086;
	s6 =	sadd.s32 @!p0 s3, s7;
	s7 =	simm.s32 @!p0 $0x108  }
0x21: {  	s3 =	sadd.s32 s3, s9;
	s6 =	sadd.s32 @!p0 $0x88, s6;
	s7 =	simm.s32 @p2 $0x1082  }
0x22: {  	[simem:s7], [sflag:s8] =	dma.local @!p0 [hbm:s6], $0xF7A  }
0x23: {  	s9 =	sor.u32 $0xD0000000, s2;
	s6 =	simm.s32 $0x108;
	_ =	swait.ge @!p0 [sflag:s8], $0x0  }
0x24: {  	s3 =	sadd.s32 $0x88, s3;
	s6 =	simm.s32 @!p1 $0x1082;
	[sflag:s4] =	ssyncset.s32 $0xFFFFF086  }
0x25: {  	[simem:s6], [sflag:s4] =	dma.local [hbm:s3], $0xF7A  }
0x26: {  	[smem:$0x3F9B] =	sst s1;
	(tag) =	ssettag s2;
	_ =	strace s9  }
0x27: {  	s1 =	sld [smem:$0x3FAB]  }
0x28: {  	s2 =	sld [smem:$0x3FAC]  }
0x29: {  	s4 =	sld [smem:$0x3FAE]  }
0x2a: {  	p0 =	seq.s32 s5, $0x0;
	s5 =	sld [smem:$0x3FAF]  }
0x2b: {  	s6 =	sld [smem:$0x3FB0]  }
0x2c: {  	s7 =	sld [smem:$0x3FB1]  }
0x2d: {  	s3 =	simm.s32 $0x108;
	s8 =	sld [smem:$0x3FB2]  }
0x2e: {  	s3 =	simm.s32 @!p0 $0x1082;
	s9 =	sld [smem:$0x3FB3]  }
0x2f: {  	lr =	sadd.s32 s0, s3;
	s0 =	sld [smem:$0x3FAA]  }
0x30: {  	s3 =	sld [smem:$0x3FAD]  }
0x31: {  	[smem:$0x3FB6] =	sst s10  }
0x32: {  	s10 =	sld [smem:$0x3FB4];
	_ =	sdelay $0x3  }
0x33: {  	p0 =	seq.s32 s10, $0x1;
	s10 =	sld [smem:$0x3FB6];
	_ =	sdelay $0x3  }
0x34: {  	[smem:$0x3FB6] =	sst s10  }
0x35: {  	s10 =	sld [smem:$0x3FB5];
	_ =	sdelay $0x3  }
0x36: {  	p1 =	seq.s32 s10, $0x1;
	s10 =	sld [smem:$0x3FB6];
	_ =	sdelay $0x3  }
0x37: {  	[smem:$0x3FB6] =	sst s10  }
0x38: {  	s10 =	sld [smem:$0x3FB7]  }
0x39: {  	_ = 	snop;
	(pc) =	sbr.ind lr, $3  }
0x3a: {  	_ = 	snop  }
0x3b: {  	_ = 	snop  }
0x3c: {  	p2 =	seq.s32 s10, $0x1;
	s10 =	sld [smem:$0x3FB6]  }
0x3d: {  	_ =	shalt  }
0x3e: {  	_ =	shalt  }
0x3f: {  	_ =	shalt  }
0x40: {  	_ =	shalt  }
0x41: {  	_ =	shalt  }
0x42: {  	_ =	shalt  }
0x43: {  	_ =	shalt  }
0x44: {  	_ =	shalt  }
0x45: {  	_ =	shalt  }
0x46: {  	_ =	shalt  }
0x47: {  	_ =	shalt  }
0x48: {  	_ =	shalt  }
0x49: {  	_ =	shalt  }
0x4a: {  	_ =	shalt  }
0x4b: {  	_ =	shalt  }
0x4c: {  	_ =	shalt  }
0x4d: {  	_ =	shalt  }
0x4e: {  	_ =	shalt  }
0x4f: {  	_ =	shalt  }
0x50: {  	_ =	shalt  }
0x51: {  	_ =	shalt  }
0x52: {  	_ =	shalt  }
0x53: {  	_ =	shalt  }
0x54: {  	_ =	shalt  }
0x55: {  	_ =	shalt  }
0x56: {  	_ =	shalt  }
0x57: {  	_ =	shalt  }
0x58: {  	_ =	shalt  }
0x59: {  	_ =	shalt  }
0x5a: {  	_ =	shalt  }
0x5b: {  	_ =	shalt  }
0x5c: {  	_ =	shalt  }
0x5d: {  	_ =	shalt  }
0x5e: {  	_ =	shalt  }
0x5f: {  	_ =	shalt  }
0x60: {  	_ =	shalt  }
0x61: {  	_ =	shalt  }
0x62: {  	_ =	shalt  }
0x63: {  	_ =	shalt  }
0x64: {  	_ =	shalt  }
0x65: {  	_ =	shalt  }
0x66: {  	_ =	shalt  }
0x67: {  	_ =	shalt  }
0x68: {  	_ =	shalt  }
0x69: {  	_ =	shalt  }
0x6a: {  	_ =	shalt  }
0x6b: {  	_ =	shalt  }
0x6c: {  	_ =	shalt  }
0x6d: {  	_ =	shalt  }
0x6e: {  	_ =	shalt  }
0x6f: {  	_ =	shalt  }
0x70: {  	_ =	shalt  }
0x71: {  	_ =	shalt  }
0x72: {  	_ =	shalt  }
0x73: {  	_ =	shalt  }
0x74: {  	_ =	shalt  }
0x75: {  	_ =	shalt  }
0x76: {  	_ =	shalt  }
0x77: {  	_ =	shalt  }
0x78: {  	_ =	shalt  }
0x79: {  	_ =	shalt  }
0x7a: {  	_ =	shalt  }
0x7b: {  	_ =	shalt  }
0x7c: {  	_ =	shalt  }
0x7d: {  	_ =	shalt  }
0x7e: {  	_ =	shalt  }
0x7f: {  	_ =	shalt  }
0x80: {  	_ =	shalt  }
0x81: {  	_ =	shalt  }
0x82: {  	_ =	shalt  }
0x83: {  	_ =	shalt  }
0x84: {  	_ =	shalt  }
0x85: {  	_ =	shalt  }
0x86: {  	_ =	shalt  }
0x87: {  	_ =	shalt  }
.Lfunc_end0:
.L_simem_size_0:
called_computation.1_lowered:
.L_overlay_start_0:
0x88: {  	s2 =	sld [smem:$0x3FD9]  }
0x89: {  	s3 =	sld [smem:$0x3FFE];
	_ =	sdelay $0x1  }
0x8a: {  	s1 =	srdreg.scid  }
0x8b: {  	s0 =	sand.u32 $0x1, s1  }
0x8c: {  	s17 =	sshll.u32 s0, $0xA;
	s2 =	sadd.s32 s3, s2  }
0x8d: {  	s2 =	sadd.s32 s2, s17  }
0x8e: {  	[smem:$0x3FC2] =	sst s2  }
0x8f: {  	_ = 	snop  }
0x90: {  	s2 =	sld [smem:$0x3FD0];
	(tm) =	ssettm $0x1  }
0x91: {  	s18 =	sld [smem:$0x3FFB];
	_ =	sdelay $0x3  }
0x92: {  	_ =	strace s18  }
0x93: {  	s3 =	sld [smem:$0x3FFC];
	_ =	sdelay $0x3  }
0x94: {  	_ =	strace s3  }
0x95: {  	s3 =	sld [smem:$0x3FFD];
	_ =	sdelay $0x3  }
0x96: {  	_ =	strace s3  }
0x97: {  	_ =	strace $0x8FFFFFFF  }
0x98: {  	s19 =	sld [smem:$0x3FDB];
	_ =	sdelay $0x1  }
0x99: {  	s4 =	simm.s32 $_scs_section_size  }
0x9a: {  	s5 =	simm.s32 $_size__tile_overlayer_lowered;
	s6 =	simm.s32 $_tile_overlayer_lowered  }
0x9b: {  	s22 =	simm.s32 $0x1BFF;
	s21 =	sshll.u32 s6, $0x1;
	s3 =	sadd.s32 s4, s19  }
0x9c: {  	s7 =	simm.s32 $0x0;
	s20 =	sshll.u32 s5, $0x1;
	s5 =	sadd.s32 s21, s3  }
0x9d: {  	[timem:s7], [sflag:s22] =	dma.local [hbm:s5], s20  }
0x9e: {  	_ =	swait.ge [sflag:s22], s20  }
0x9f: {  	s4 =	ssub.s32 $0x0, s20;
	[sflag:s22] =	ssyncset.done $0x0  }
0xa0: {  	[sflag:s22] =	ssyncadd.s32 s4;
	_ =	sdelay $0x1  }
0xa1: {  	s23 =	simm.s32 $0x1B8B  }
0xa2: {  	_ =	swait.ge [sflag:s23], $0x1  }
0xa3: {  	[sflag:s23] =	ssyncset.done $0x0  }
0xa4: {  	s25 =	simm.s32 $0x1B8E;
	s24 =	sld [smem:$0x3FFE];
	[sflag:s23] =	ssyncadd.s32 $0xFFFFFFFF  }
0xa5: {  	s26 =	simm.s32 $execute0_lowered;
	[smem:$0x3FD2] =	sst s25  }
0xa6: {  	s5 =	sshll.u32 s26, $0x1;
	_ =	strace $0x80000049;
	[dreg:$0x1] =	wrdreg $0xFFFFFFFF  }
0xa7: {  	s28 =	simm.s32 $_size_execute0_lowered;
	s3 =	sadd.s32 s3, s5;
	[dreg:$0x0] =	wrdreg $0x0  }
0xa8: {  	s5 =	sshll.u32 s28, $0x1;
	[dreg:$0x2] =	wrdreg s3  }
0xa9: {  	[dreg:$0x3] =	wrdreg s5  }
0xaa: {  	[dreg:$0x4] =	wrdreg $0xC0  }
0xab: {  	_ =	task [dreg:s7], $0x5FFFF  }
0xac: {  	[dreg:$0x1] =	wrdreg $0xFFFFFFFF  }
0xad: {  	[dreg:$0x0] =	wrdreg $0x60  }
0xae: {  	[dreg:$0x2] =	wrdreg s24  }
0xaf: {  	[dreg:$0x3] =	wrdreg s2  }
0xb0: {  	[dreg:$0x4] =	wrdreg $0xA8000  }
0xb1: {  	[dreg:$0x5] =	wrdreg $0x9  }
0xb2: {  	_ =	task.clear_ibuf [dreg:s7], $0x6FFFF;
	_ =	strace $0x90000049  }
0xb3: {  	s29 =	simm.s32 $0x9;
	_ =	strace $0x8000004B  }
0xb4: {  	_ =	swait.ge [sflag:s29], $0x1  }
0xb5: {  	[sflag:s29] =	ssyncadd.s32 $0xFFFFFFFF  }
0xb6: {  	_ =	strace $0x9000004B  }
0xb7: {  	_ =	sfence  }
0xb8: {  	s30 =	sld [smem:$0x0];
	_ =	sdelay $0x2  }
0xb9: {  	s31 =	sshll.u32 s1, $0xD;
	s1 =	sshrl.u32 s1, $0x2  }
0xba: {  	s3 =	sand.u32 $0x4000, s31;
	s1 =	sadd.s32 s1, s30  }
0xbb: {  	s0 =	sor.u32 s3, s0;
	s1 =	sshll.u32 s1, $0x11  }
0xbc: {  	s0 =	sor.u32 s1, s0  }
0xbd: {  	s0 =	sadd.s32 $0x8F2B, s0  }
0xbe: {  	[sflag:s0] =	ssyncadd.remote.s32 $0x1  }
0xbf: {  	_ =	sfence.sel $0xFFFF  }
0xc0: {  	[dreg:$0x0] =	wrdreg $0xFFFFFFFF;
	(pc) =	sbr.abs _section_cstart, $3  }
0xc1: {  	[dreg:$0x1] =	wrdreg $0xFFFFFFFF  }
0xc2: {  	_ =	task.clear_ibuf [dreg:s7], $0x2FFFF;
	_ =	strace $0x9FFFFFFF  }
0xc3: {  	(tm) =	ssettm $0x7FFFFFFF  }
tec
execute0_lowered:
.L_overlay_start_1:
0x0: {  	(tag) =	ssettag $0x1  }
0x1: {  	s6 =	rddreg [dreg:$0x0]  }
0x2: {  	s14 =	rddreg [dreg:$0x1];
	s1 =	srdreg.scid  }
0x3: {  	s0 =	stileid.u32;
	s2 =	rddreg [dreg:$0x2]  }
0x4: {  	s3 =	simm.s32 $0x0;
	s18 =	simm.s32 $0x3;
	s19 =	simm.s32 $0x1400  }
0x5: {  	s20 =	simm.s32 $0x80;
	s21 =	simm.s32 $0x6800;
	s22 =	simm.s32 $0x1  }
0x6: {  	s23 =	simm.s32 $0x2;
	s24 =	simm.s32 $0x2700;
	s25 =	simm.s32 $0x2780  }
0x7: {  	s7 =	sand.u32 $0x1, s1;
	s8 =	smul.u32 $0x14000, s0;
	s1 =	rddreg [dreg:$0x3]  }
0x8: {  	s26 =	simm.s32 $0x0;
	[smem:$0x7FF] =	sst s3;
	s10 =	smul.u32 $0x50000, s0  }
0x9: {  	s4 =	sadd.s32 $0x16800, s6;
	s13 =	sadd.s32 $0xC800, s6;
	s5 =	smul.u32 $0x140000, s7  }
0xa: {  	s28 =	sshll.u32 s0, $0x1;
	_ =	strace $0x8000004A;
	s29 =	ssub.s32 $0x2, s7  }
0xb: {  	s30 =	sshrl.u32 s10, $0x2;
	s31 =	sshrl.u32 s29, $0x1;
	s5 =	sadd.s32 s8, s5  }
0xc: {  	s11 =	sadd.s32 s30, s2;
	s16 =	ssub.s32 s29, s31;
	s9 =	sshrl.u32 s5, $0x3  }
0xd: {  	s5 =	sadd.s32 $0x2000, s6;
	s15 =	sadd.s32 s9, s6;
	s6 =	sor.u32 s7, s28  }
0xe: {  	s10 =	sadd.s32 $0x10000, s11;
	s16 =	smax.u32 s16, $0x1;
	s12 =	smul.u32 $0x2800, s6  }
0xf: {  	s7 =	sadd.s32 $0x4000, s11;
	s9 =	sadd.s32 $0xC000, s11;
	s6 =	sadd.s32 s8, s2  }
0x10: {  	s8 =	sadd.s32 $0x8000, s11;
	s15 =	sadd.s32 $0x3E800, s15;
	s12 =	sshrl.u32 s12, $0x3  }
0x11: {  	s11 =	sadd.s32 s13, s12;
	s17 =	sadd.s32 $0x280, s12;
	s12 =	sadd.s32 s14, s12  }
0x12: {  	s13 =	sadd.s32 s13, s17;
	s14 =	sadd.s32 s14, s17;
	s17 =	simm.s32 $0x2800  }
.LBB2_1:
0x13: {  	[tilespmem:s17], [sflag:$0x3] =	stream.linear.gather [hbm4b:s5+s3], $0x4000, $0x38;
	[tilespmem:$0x1E800] =	vst v63  }
0x14: {  	_ =	swait.ge [sflag:s18], $0x4000  }
0x15: {  	[sflag:s18] =	ssyncset.done $0x0  }
0x16: {  	[sflag:s18] =	ssyncadd.s32 $0xFFFFC000  }
0x17: {  	[spmem:s6] =	stream.linear.scatter [tilespmem:s17], [sflag:$0x3], $0x4000, $0x38;
	[tilespmem:$0x1E800] =	vst v63  }
0x18: {  	_ =	swait.ge [sflag:s18], $0x4000  }
0x19: {  	[sflag:s18] =	ssyncset.done $0x0  }
0x1a: {  	[sflag:s18] =	ssyncadd.s32 $0xFFFFC000  }
0x1b: {  	[spmem:s7] =	stream.linear.scatter [tilespmem:s17], [sflag:$0x3], $0x4000, $0x38;
	[tilespmem:$0x1E800] =	vst v63  }
0x1c: {  	_ =	swait.ge [sflag:s18], $0x4000  }
0x1d: {  	[sflag:s18] =	ssyncset.done $0x0  }
0x1e: {  	[sflag:s18] =	ssyncadd.s32 $0xFFFFC000  }
0x1f: {  	[spmem:s8] =	stream.linear.scatter [tilespmem:s17], [sflag:$0x3], $0x4000, $0x38;
	[tilespmem:$0x1E800] =	vst v63  }
0x20: {  	_ =	swait.ge [sflag:s18], $0x4000  }
0x21: {  	[sflag:s18] =	ssyncset.done $0x0  }
0x22: {  	[sflag:s18] =	ssyncadd.s32 $0xFFFFC000  }
0x23: {  	[spmem:s9] =	stream.linear.scatter [tilespmem:s17], [sflag:$0x3], $0x4000, $0x38;
	[tilespmem:$0x1E800] =	vst v63  }
0x24: {  	_ =	swait.ge [sflag:s18], $0x4000  }
0x25: {  	[sflag:s18] =	ssyncset.done $0x0  }
0x26: {  	[sflag:s18] =	ssyncadd.s32 $0xFFFFC000  }
0x27: {  	[spmem:s10] =	stream.linear.scatter [tilespmem:s17], [sflag:$0x3], $0x4000, $0x38;
	[tilespmem:$0x1E800] =	vst v63  }
0x28: {  	_ =	swait.ge [sflag:s18], $0x4000  }
0x29: {  	[sflag:s18] =	ssyncset.done $0x0  }
0x2a: {  	[sflag:s18] =	ssyncadd.s32 $0xFFFFC000  }
0x2b: {  	[bflag:$0x0] =	sbarrier.arrive $0xFFFF  }
0x2c: {  	[tilespmem:s3], [sflag:$0x3] =	stream.linear.gather [hbm4b:s11+s3], $0x1400, $0x38;
	[tilespmem:$0x1E800] =	vst v63  }
0x2d: {  	_ =	swait.ge [sflag:s18], $0x1400  }
0x2e: {  	[sflag:s18] =	ssyncset.done $0x0  }
0x2f: {  	[sflag:s18] =	ssyncadd.s32 $0xFFFFEC00  }
0x30: {  	[tilespmem:s19], [sflag:$0x3] =	stream.linear.gather [hbm4b:s12+s3], $0x1400, $0x38;
	[tilespmem:$0x1E800] =	vst v63  }
0x31: {  	_ =	swait.ge [sflag:s18], $0x1400  }
0x32: {  	[sflag:s18] =	ssyncset.done $0x0  }
0x33: {  	[sflag:s18] =	ssyncadd.s32 $0xFFFFEC00  }
0x34: {  	[tilespmem:s17], [sflag:$0x1] =	stream.indirect.gather [hbm4b:s4+s20], $0x80, s3, s20, $0xb8;
	[tilespmem:$0x1E800] =	vst v63  }
0x35: {  	_ = 	snop  }
0x36: {  	[tilespmem:s21], [sflag:$0x2] =	stream.indirect.gather [hbm4b:s4+s20], $0x80, s20, s20, $0xb8;
	[tilespmem:$0x1E800] =	vst v63  }
0x37: {  	_ =	swait.ge [sflag:s22], $0x4000  }
0x38: {  	[sflag:s22] =	ssyncset.done $0x0  }
0x39: {  	s28 =	simm.s32 $0x1400;
	[sflag:s22] =	ssyncadd.s32 $0xFFFFC000  }
0x3a: {  	[spmem:s2] =	stream.indirect.scatter.add.f32 [tilespmem:s17], [sflag:$0x3], $0x80, s28, s20, $0xb8;
	[tilespmem:$0x1E800] =	vst v63  }
0x3b: {  	_ =	swait.ge [sflag:s18], $0x4000  }
0x3c: {  	[sflag:s18] =	ssyncset.done $0x0  }
0x3d: {  	s28 =	simm.s32 $0x100;
	[sflag:s18] =	ssyncadd.s32 $0xFFFFC000  }
0x3e: {  	[tilespmem:s17], [sflag:$0x1] =	stream.indirect.gather [hbm4b:s4+s20], $0x80, s28, s20, $0xb8;
	[tilespmem:$0x1E800] =	vst v63  }
0x3f: {  	_ =	swait.ge [sflag:s23], $0x4000  }
0x40: {  	[sflag:s23] =	ssyncset.done $0x0  }
0x41: {  	s28 =	simm.s32 $0x1480;
	[sflag:s23] =	ssyncadd.s32 $0xFFFFC000  }
0x42: {  	[spmem:s2] =	stream.indirect.scatter.add.f32 [tilespmem:s21], [sflag:$0x3], $0x80, s28, s20, $0xb8;
	[tilespmem:$0x1E800] =	vst v63  }
0x43: {  	_ =	swait.ge [sflag:s18], $0x4000  }
0x44: {  	[sflag:s18] =	ssyncset.done $0x0  }
0x45: {  	s29 =	simm.s32 $0x180;
	s28 =	simm.s32 $0x400;
	[sflag:s18] =	ssyncadd.s32 $0xFFFFC000  }
.LBB2_2:
0x46: {  	[tilespmem:s21], [sflag:$0x2] =	stream.indirect.gather [hbm4b:s4+s20], $0x80, s29, s20, $0xb8;
	[tilespmem:$0x1E800] =	vst v63  }
0x47: {  	s29 =	smov.u32 s28  }
0x48: {  	p0 =	sne.s32 s28, $0x4800;
	s28 =	sadd.s32 $0x400, s28;
	_ =	swait.ge [sflag:s22], $0x4000  }
0x49: {  	s29 =	sshra.s32 s29, $0x2;
	[sflag:s22] =	ssyncset.done $0x0  }
0x4a: {  	s30 =	sadd.s32 $0x1400, s29;
	[sflag:s22] =	ssyncadd.s32 $0xFFFFC000  }
0x4b: {  	[spmem:s2] =	stream.indirect.scatter.add.f32 [tilespmem:s17], [sflag:$0x3], $0x80, s30, s20, $0xb8;
	[tilespmem:$0x1E800] =	vst v63  }
0x4c: {  	_ =	swait.ge [sflag:s18], $0x4000  }
0x4d: {  	[sflag:s18] =	ssyncset.done $0x0  }
0x4e: {  	s30 =	sadd.s32 $0x100, s29;
	[sflag:s18] =	ssyncadd.s32 $0xFFFFC000  }
0x4f: {  	[tilespmem:s17], [sflag:$0x1] =	stream.indirect.gather [hbm4b:s4+s20], $0x80, s30, s20, $0xb8;
	[tilespmem:$0x1E800] =	vst v63  }
0x50: {  	_ =	swait.ge [sflag:s23], $0x4000  }
0x51: {  	[sflag:s23] =	ssyncset.done $0x0  }
.Ltmp0:
0x52: {  	s30 =	sadd.s32 $0x1480, s29;
	[sflag:s23] =	ssyncadd.s32 $0xFFFFC000;
	(pc) =	sbr.rel @p0 .LBB2_2-.Ltmp0, $4  }
0x53: {  	[spmem:s2] =	stream.indirect.scatter.add.f32 [tilespmem:s21], [sflag:$0x3], $0x80, s30, s20, $0xb8;
	[tilespmem:$0x1E800] =	vst v63  }
0x54: {  	_ =	swait.ge [sflag:s18], $0x4000  }
0x55: {  	[sflag:s18] =	ssyncset.done $0x0  }
0x56: {  	s29 =	sadd.s32 $0x180, s29;
	[sflag:s18] =	ssyncadd.s32 $0xFFFFC000  }
0x57: {  	[tilespmem:s21], [sflag:$0x2] =	stream.indirect.gather [hbm4b:s4+s20], $0x80, s29, s20, $0xb8;
	[tilespmem:$0x1E800] =	vst v63  }
0x58: {  	_ =	swait.ge [sflag:s22], $0x4000  }
0x59: {  	[sflag:s22] =	ssyncset.done $0x0  }
0x5a: {  	[sflag:s22] =	ssyncadd.s32 $0xFFFFC000  }
0x5b: {  	[spmem:s2] =	stream.indirect.scatter.add.f32 [tilespmem:s17], [sflag:$0x3], $0x80, s24, s20, $0xb8;
	[tilespmem:$0x1E800] =	vst v63  }
0x5c: {  	_ =	swait.ge [sflag:s18], $0x4000  }
0x5d: {  	[sflag:s18] =	ssyncset.done $0x0  }
0x5e: {  	[sflag:s18] =	ssyncadd.s32 $0xFFFFC000  }
0x5f: {  	_ =	swait.ge [sflag:s23], $0x4000  }
0x60: {  	[sflag:s23] =	ssyncset.done $0x0  }
0x61: {  	[sflag:s23] =	ssyncadd.s32 $0xFFFFC000  }
0x62: {  	[spmem:s2] =	stream.indirect.scatter.add.f32 [tilespmem:s21], [sflag:$0x3], $0x80, s25, s20, $0xb8;
	[tilespmem:$0x1E800] =	vst v63  }
0x63: {  	_ =	swait.ge [sflag:s18], $0x4000  }
0x64: {  	[sflag:s18] =	ssyncset.done $0x0  }
0x65: {  	s28 =	simm.s32 $0x0;
	[sflag:s18] =	ssyncadd.s32 $0xFFFFC000  }
0x66: {  	[tilespmem:s28], [sflag:$0x3] =	stream.linear.gather [hbm4b:s13+s28], $0x1400, $0x38;
	[tilespmem:$0x1E800] =	vst v63  }
0x67: {  	_ =	swait.ge [sflag:s18], $0x1400  }
0x68: {  	[sflag:s18] =	ssyncset.done $0x0  }
0x69: {  	[sflag:s18] =	ssyncadd.s32 $0xFFFFEC00  }
0x6a: {  	[tilespmem:s19], [sflag:$0x3] =	stream.linear.gather [hbm4b:s14+s28], $0x1400, $0x38;
	[tilespmem:$0x1E800] =	vst v63  }
0x6b: {  	_ =	swait.ge [sflag:s18], $0x1400  }
0x6c: {  	[sflag:s18] =	ssyncset.done $0x0  }
0x6d: {  	[sflag:s18] =	ssyncadd.s32 $0xFFFFEC00  }
0x6e: {  	[tilespmem:s17], [sflag:$0x1] =	stream.indirect.gather [hbm4b:s4+s20], $0x80, s28, s20, $0xb8;
	[tilespmem:$0x1E800] =	vst v63  }
0x6f: {  	_ = 	snop  }
0x70: {  	[tilespmem:s21], [sflag:$0x2] =	stream.indirect.gather [hbm4b:s4+s20], $0x80, s20, s20, $0xb8;
	[tilespmem:$0x1E800] =	vst v63  }
0x71: {  	_ =	swait.ge [sflag:s22], $0x4000  }
0x72: {  	[sflag:s22] =	ssyncset.done $0x0  }
0x73: {  	s28 =	simm.s32 $0x1400;
	[sflag:s22] =	ssyncadd.s32 $0xFFFFC000  }
0x74: {  	[spmem:s2] =	stream.indirect.scatter.add.f32 [tilespmem:s17], [sflag:$0x3], $0x80, s28, s20, $0xb8;
	[tilespmem:$0x1E800] =	vst v63  }
0x75: {  	_ =	swait.ge [sflag:s18], $0x4000  }
0x76: {  	[sflag:s18] =	ssyncset.done $0x0  }
0x77: {  	s28 =	simm.s32 $0x100;
	[sflag:s18] =	ssyncadd.s32 $0xFFFFC000  }
0x78: {  	[tilespmem:s17], [sflag:$0x1] =	stream.indirect.gather [hbm4b:s4+s20], $0x80, s28, s20, $0xb8;
	[tilespmem:$0x1E800] =	vst v63  }
0x79: {  	_ =	swait.ge [sflag:s23], $0x4000  }
0x7a: {  	[sflag:s23] =	ssyncset.done $0x0  }
0x7b: {  	s28 =	simm.s32 $0x1480;
	[sflag:s23] =	ssyncadd.s32 $0xFFFFC000  }
0x7c: {  	[spmem:s2] =	stream.indirect.scatter.add.f32 [tilespmem:s21], [sflag:$0x3], $0x80, s28, s20, $0xb8;
	[tilespmem:$0x1E800] =	vst v63  }
0x7d: {  	_ =	swait.ge [sflag:s18], $0x4000  }
0x7e: {  	[sflag:s18] =	ssyncset.done $0x0  }
0x7f: {  	s29 =	simm.s32 $0x180;
	s28 =	simm.s32 $0x400;
	[sflag:s18] =	ssyncadd.s32 $0xFFFFC000  }
.LBB2_4:
0x80: {  	[tilespmem:s21], [sflag:$0x2] =	stream.indirect.gather [hbm4b:s4+s20], $0x80, s29, s20, $0xb8;
	[tilespmem:$0x1E800] =	vst v63  }
0x81: {  	s29 =	smov.u32 s28  }
0x82: {  	p0 =	sne.s32 s28, $0x4800;
	s28 =	sadd.s32 $0x400, s28;
	_ =	swait.ge [sflag:s22], $0x4000  }
0x83: {  	s29 =	sshra.s32 s29, $0x2;
	[sflag:s22] =	ssyncset.done $0x0  }
0x84: {  	s30 =	sadd.s32 $0x1400, s29;
	[sflag:s22] =	ssyncadd.s32 $0xFFFFC000  }
0x85: {  	[spmem:s2] =	stream.indirect.scatter.add.f32 [tilespmem:s17], [sflag:$0x3], $0x80, s30, s20, $0xb8;
	[tilespmem:$0x1E800] =	vst v63  }
0x86: {  	_ =	swait.ge [sflag:s18], $0x4000  }
0x87: {  	[sflag:s18] =	ssyncset.done $0x0  }
0x88: {  	s30 =	sadd.s32 $0x100, s29;
	[sflag:s18] =	ssyncadd.s32 $0xFFFFC000  }
0x89: {  	[tilespmem:s17], [sflag:$0x1] =	stream.indirect.gather [hbm4b:s4+s20], $0x80, s30, s20, $0xb8;
	[tilespmem:$0x1E800] =	vst v63  }
0x8a: {  	_ =	swait.ge [sflag:s23], $0x4000  }
0x8b: {  	[sflag:s23] =	ssyncset.done $0x0  }
.Ltmp1:
0x8c: {  	s30 =	sadd.s32 $0x1480, s29;
	[sflag:s23] =	ssyncadd.s32 $0xFFFFC000;
	(pc) =	sbr.rel @p0 .LBB2_4-.Ltmp1, $4  }
0x8d: {  	[spmem:s2] =	stream.indirect.scatter.add.f32 [tilespmem:s21], [sflag:$0x3], $0x80, s30, s20, $0xb8;
	[tilespmem:$0x1E800] =	vst v63  }
0x8e: {  	_ =	swait.ge [sflag:s18], $0x4000  }
0x8f: {  	[sflag:s18] =	ssyncset.done $0x0  }
0x90: {  	s29 =	sadd.s32 $0x180, s29;
	[sflag:s18] =	ssyncadd.s32 $0xFFFFC000  }
0x91: {  	[tilespmem:s21], [sflag:$0x2] =	stream.indirect.gather [hbm4b:s4+s20], $0x80, s29, s20, $0xb8;
	[tilespmem:$0x1E800] =	vst v63  }
0x92: {  	_ =	swait.ge [sflag:s22], $0x4000  }
0x93: {  	[sflag:s22] =	ssyncset.done $0x0  }
0x94: {  	[sflag:s22] =	ssyncadd.s32 $0xFFFFC000  }
0x95: {  	[spmem:s2] =	stream.indirect.scatter.add.f32 [tilespmem:s17], [sflag:$0x3], $0x80, s24, s20, $0xb8;
	[tilespmem:$0x1E800] =	vst v63  }
0x96: {  	_ =	swait.ge [sflag:s18], $0x4000  }
0x97: {  	[sflag:s18] =	ssyncset.done $0x0  }
0x98: {  	[sflag:s18] =	ssyncadd.s32 $0xFFFFC000  }
0x99: {  	_ =	swait.ge [sflag:s23], $0x4000  }
0x9a: {  	[sflag:s23] =	ssyncset.done $0x0  }
0x9b: {  	[sflag:s23] =	ssyncadd.s32 $0xFFFFC000  }
0x9c: {  	[spmem:s2] =	stream.indirect.scatter.add.f32 [tilespmem:s21], [sflag:$0x3], $0x80, s25, s20, $0xb8;
	[tilespmem:$0x1E800] =	vst v63  }
0x9d: {  	_ =	swait.ge [sflag:s18], $0x4000  }
0x9e: {  	s28 =	sshll.u32 s0, $0x6;
	s26 =	sadd.s32 $0x1, s26;
	[sflag:s18] =	ssyncset.done $0x0  }
0x9f: {  	s31 =	sshrl.u32 s6, $0x3;
	p0 =	sne.s32 s26, s16;
	[sflag:s18] =	ssyncadd.s32 $0xFFFFC000  }
.Ltmp2:
0xa0: {  	s28 =	sor.u32 $0x1C03, s28;
	[bflag:$0x0] =	sbarrier.arrive $0xFFFF;
	(pc) =	sbr.rel @p0 .LBB2_1-.Ltmp2, $4  }
0xa1: {  	[hbm:s15], [sflag:s28] =	dma.local [spmem:s31], $0x2800  }
0xa2: {  	_ =	swait.ge [sflag:s18], $0x2800  }
0xa3: {  	[sflag:s18] =	ssyncset.done $0x0  }
0xa4: {  	[sflag:s18] =	ssyncadd.s32 $0xFFFFD800  }
0xa5: {  	_ =	sfence.sel $0x180000  }
0xa6: {  	[bflag:$0x0] =	sbarrier.arrive $0xFFFF  }
0xa7: {  	p0 =	sne.s32 s0, $0x0;
	_ =	strace $0x9000004A  }
0xa8: {  	s0 =	sadd.s32 @!p0 $0x100000, s1;
	[bflag:$0x2] =	sbarrier.arrive $0xFFFF  }
0xa9: {  	[sflag:s0] =	ssyncadd.tile.s32 @!p0 $0x1;
	_ =	shalt  }
.Lfunc_end2:
_tile_overlayer_lowered:
.L_overlay_start_2:
0xaa: {  	(tag) =	ssettag $0x2  }
0xab: {  	s0 =	rddreg [dreg:$0x0];
	s2 =	stileid.u32  }
0xac: {  	s1 =	rddreg [dreg:$0x1];
	p0 =	sne.s32 s2, $0x0  }
0xad: {  	s3 =	rddreg [dreg:$0x2];
	[bflag:$0x3] =	sbarrier.arrive $0xFFFF;
	s2 =	simm.s32 @!p0 $0x1C03  }
0xae: {  	[timem:s3], [sflag:s2] =	dma.local @!p0 [hbm:s0], s1  }
0xaf: {  	s0 =	simm.s32 @!p0 $0x3  }
0xb0: {  	_ =	swait.ge @!p0 [sflag:s0], s1  }
0xb1: {  	s1 =	ssub.s32 @!p0 $0x0, s1;
	[sflag:s0] =	ssyncset.done @!p0 $0x0  }
0xb2: {  	[sflag:s0] =	ssyncadd.s32 @!p0 s1  }
0xb3: {  	[bflag:$0x3] =	sbarrier.arrive $0xFFFF  }
0xb4: {  	_ =	shalt  }

// kernel: kernel.14.cloned.1.call-start
scs
__scs_entry_jumppad:
0x0: {  	(pc) =	sbr.rel $0x88, $3  }
0x1: {  	(tag) =	ssettag $0x0;
	lr =	simm.s32 $0x1  }
0x2: {  	[smem:$0x3F9B] =	sst lr;
	_ =	strace $0xD0000000  }
0x3: {  	_ = 	snop  }
0x4: {  	_ = 	snop  }
0x5: {  	_ = 	snop  }
0x6: {  	_ = 	snop  }
0x7: {  	_ = 	snop  }
__scs_overlays_trampoline_lowered:
0x8: {  	[smem:$0x3FAA] =	sst s0  }
0x9: {  	[smem:$0x3FAB] =	sst s1  }
0xa: {  	[smem:$0x3FAC] =	sst s2  }
0xb: {  	[smem:$0x3FAD] =	sst s3  }
0xc: {  	[smem:$0x3FAE] =	sst s4  }
0xd: {  	[smem:$0x3FAF] =	sst s5  }
0xe: {  	[smem:$0x3FB0] =	sst s6  }
0xf: {  	[smem:$0x3FB1] =	sst s7  }
0x10: {  	[smem:$0x3FB2] =	sst s8  }
0x11: {  	[smem:$0x3FB3] =	sst s9;
	s0 =	simm.s32 @!p0 $0x0  }
0x12: {  	s1 =	sld [smem:$0x3F99];
	s0 =	simm.s32 @p0 $0x1  }
0x13: {  	[smem:$0x3FB4] =	sst s0;
	s0 =	simm.s32 @!p1 $0x0  }
0x14: {  	s2 =	sld [smem:$0x3F98];
	s0 =	simm.s32 @p1 $0x1  }
0x15: {  	[smem:$0x3FB5] =	sst s0;
	s0 =	simm.s32 @!p2 $0x0  }
0x16: {  	s3 =	sld [smem:$0x3FDB];
	s0 =	simm.s32 @p2 $0x1  }
0x17: {  	s4 =	simm.s32 $0x1BF5;
	[smem:$0x3FB7] =	sst s0  }
0x18: {  	s0 =	sld [smem:$0x3F9A];
	_ =	swait.ge [sflag:s4], $0x0  }
0x19: {  	s7 =	sld [smem:$0x3F9B]  }
0x1a: {  	s8 =	sadd.s32 $0xFFFFE003, lr  }
0x1b: {  	s9 =	sadd.s32 $0xFFFFFEF7, lr;
	s5 =	simm.s32 $0xFFFFFFFF;
	p2 =	slt.u32 s8, $0xFFFFF086  }
0x1c: {  	p1 =	slt.u32 s9, $0xF7A;
	s5 =	simm.s32 @!p2 $0x0  }
0x1d: {  	s5 =	simm.s32 @p1 $0x1;
	p0 =	seq.s32 s7, s2  }
0x1e: {  	s7 =	smul.u32 @!p0 $0xF7A, s2;
	p2 =	seq.s32 @!p0 s5, $0x0  }
0x1f: {  	s9 =	smul.u32 $0xF7A, s1;
	s8 =	simm.s32 @!p0 $0x1BF5;
	p2 =	por !p2, p0  }
0x20: {  	[sflag:s8] =	ssyncset.s32 @!p0 $0xFFFFF086;
	s6 =	sadd.s32 @!p0 s3, s7;
	s7 =	simm.s32 @!p0 $0x108  }
0x21: {  	s3 =	sadd.s32 s3, s9;
	s6 =	sadd.s32 @!p0 $0x88, s6;
	s7 =	simm.s32 @p2 $0x1082  }
0x22: {  	[simem:s7], [sflag:s8] =	dma.local @!p0 [hbm:s6], $0xF7A  }
0x23: {  	s9 =	sor.u32 $0xD0000000, s2;
	s6 =	simm.s32 $0x108;
	_ =	swait.ge @!p0 [sflag:s8], $0x0  }
0x24: {  	s3 =	sadd.s32 $0x88, s3;
	s6 =	simm.s32 @!p1 $0x1082;
	[sflag:s4] =	ssyncset.s32 $0xFFFFF086  }
0x25: {  	[simem:s6], [sflag:s4] =	dma.local [hbm:s3], $0xF7A  }
0x26: {  	[smem:$0x3F9B] =	sst s1;
	(tag) =	ssettag s2;
	_ =	strace s9  }
0x27: {  	s1 =	sld [smem:$0x3FAB]  }
0x28: {  	s2 =	sld [smem:$0x3FAC]  }
0x29: {  	s4 =	sld [smem:$0x3FAE]  }
0x2a: {  	p0 =	seq.s32 s5, $0x0;
	s5 =	sld [smem:$0x3FAF]  }
0x2b: {  	s6 =	sld [smem:$0x3FB0]  }
0x2c: {  	s7 =	sld [smem:$0x3FB1]  }
0x2d: {  	s3 =	simm.s32 $0x108;
	s8 =	sld [smem:$0x3FB2]  }
0x2e: {  	s3 =	simm.s32 @!p0 $0x1082;
	s9 =	sld [smem:$0x3FB3]  }
0x2f: {  	lr =	sadd.s32 s0, s3;
	s0 =	sld [smem:$0x3FAA]  }
0x30: {  	s3 =	sld [smem:$0x3FAD]  }
0x31: {  	[smem:$0x3FB6] =	sst s10  }
0x32: {  	s10 =	sld [smem:$0x3FB4];
	_ =	sdelay $0x3  }
0x33: {  	p0 =	seq.s32 s10, $0x1;
	s10 =	sld [smem:$0x3FB6];
	_ =	sdelay $0x3  }
0x34: {  	[smem:$0x3FB6] =	sst s10  }
0x35: {  	s10 =	sld [smem:$0x3FB5];
	_ =	sdelay $0x3  }
0x36: {  	p1 =	seq.s32 s10, $0x1;
	s10 =	sld [smem:$0x3FB6];
	_ =	sdelay $0x3  }
0x37: {  	[smem:$0x3FB6] =	sst s10  }
0x38: {  	s10 =	sld [smem:$0x3FB7]  }
0x39: {  	_ = 	snop;
	(pc) =	sbr.ind lr, $3  }
0x3a: {  	_ = 	snop  }
0x3b: {  	_ = 	snop  }
0x3c: {  	p2 =	seq.s32 s10, $0x1;
	s10 =	sld [smem:$0x3FB6]  }
0x3d: {  	_ =	shalt  }
0x3e: {  	_ =	shalt  }
0x3f: {  	_ =	shalt  }
0x40: {  	_ =	shalt  }
0x41: {  	_ =	shalt  }
0x42: {  	_ =	shalt  }
0x43: {  	_ =	shalt  }
0x44: {  	_ =	shalt  }
0x45: {  	_ =	shalt  }
0x46: {  	_ =	shalt  }
0x47: {  	_ =	shalt  }
0x48: {  	_ =	shalt  }
0x49: {  	_ =	shalt  }
0x4a: {  	_ =	shalt  }
0x4b: {  	_ =	shalt  }
0x4c: {  	_ =	shalt  }
0x4d: {  	_ =	shalt  }
0x4e: {  	_ =	shalt  }
0x4f: {  	_ =	shalt  }
0x50: {  	_ =	shalt  }
0x51: {  	_ =	shalt  }
0x52: {  	_ =	shalt  }
0x53: {  	_ =	shalt  }
0x54: {  	_ =	shalt  }
0x55: {  	_ =	shalt  }
0x56: {  	_ =	shalt  }
0x57: {  	_ =	shalt  }
0x58: {  	_ =	shalt  }
0x59: {  	_ =	shalt  }
0x5a: {  	_ =	shalt  }
0x5b: {  	_ =	shalt  }
0x5c: {  	_ =	shalt  }
0x5d: {  	_ =	shalt  }
0x5e: {  	_ =	shalt  }
0x5f: {  	_ =	shalt  }
0x60: {  	_ =	shalt  }
0x61: {  	_ =	shalt  }
0x62: {  	_ =	shalt  }
0x63: {  	_ =	shalt  }
0x64: {  	_ =	shalt  }
0x65: {  	_ =	shalt  }
0x66: {  	_ =	shalt  }
0x67: {  	_ =	shalt  }
0x68: {  	_ =	shalt  }
0x69: {  	_ =	shalt  }
0x6a: {  	_ =	shalt  }
0x6b: {  	_ =	shalt  }
0x6c: {  	_ =	shalt  }
0x6d: {  	_ =	shalt  }
0x6e: {  	_ =	shalt  }
0x6f: {  	_ =	shalt  }
0x70: {  	_ =	shalt  }
0x71: {  	_ =	shalt  }
0x72: {  	_ =	shalt  }
0x73: {  	_ =	shalt  }
0x74: {  	_ =	shalt  }
0x75: {  	_ =	shalt  }
0x76: {  	_ =	shalt  }
0x77: {  	_ =	shalt  }
0x78: {  	_ =	shalt  }
0x79: {  	_ =	shalt  }
0x7a: {  	_ =	shalt  }
0x7b: {  	_ =	shalt  }
0x7c: {  	_ =	shalt  }
0x7d: {  	_ =	shalt  }
0x7e: {  	_ =	shalt  }
0x7f: {  	_ =	shalt  }
0x80: {  	_ =	shalt  }
0x81: {  	_ =	shalt  }
0x82: {  	_ =	shalt  }
0x83: {  	_ =	shalt  }
0x84: {  	_ =	shalt  }
0x85: {  	_ =	shalt  }
0x86: {  	_ =	shalt  }
0x87: {  	_ =	shalt  }
.Lfunc_end0:
.L_simem_size_0:
called_computation.2_lowered:
.L_overlay_start_0:
0x88: {  	s2 =	sld [smem:$0x3FD9]  }
0x89: {  	s3 =	sld [smem:$0x3FFE];
	_ =	sdelay $0x1  }
0x8a: {  	s1 =	srdreg.scid  }
0x8b: {  	s0 =	sand.u32 $0x1, s1  }
0x8c: {  	s17 =	sshll.u32 s0, $0xA;
	s2 =	sadd.s32 s3, s2  }
0x8d: {  	s2 =	sadd.s32 s2, s17  }
0x8e: {  	[smem:$0x3FC2] =	sst s2  }
0x8f: {  	_ = 	snop  }
0x90: {  	s2 =	sld [smem:$0x3FD0];
	(tm) =	ssettm $0x1  }
0x91: {  	s18 =	sld [smem:$0x3FFB];
	_ =	sdelay $0x3  }
0x92: {  	_ =	strace s18  }
0x93: {  	s3 =	sld [smem:$0x3FFC];
	_ =	sdelay $0x3  }
0x94: {  	_ =	strace s3  }
0x95: {  	s3 =	sld [smem:$0x3FFD];
	_ =	sdelay $0x3  }
0x96: {  	_ =	strace s3  }
0x97: {  	_ =	strace $0x8FFFFFFF  }
0x98: {  	s19 =	sld [smem:$0x3FDB];
	_ =	sdelay $0x1  }
0x99: {  	s4 =	simm.s32 $_scs_section_size  }
0x9a: {  	s5 =	simm.s32 $_size__tile_overlayer_lowered;
	s6 =	simm.s32 $_tile_overlayer_lowered  }
0x9b: {  	s22 =	simm.s32 $0x1BFF;
	s21 =	sshll.u32 s6, $0x1;
	s3 =	sadd.s32 s4, s19  }
0x9c: {  	s7 =	simm.s32 $0x0;
	s20 =	sshll.u32 s5, $0x1;
	s5 =	sadd.s32 s21, s3  }
0x9d: {  	[timem:s7], [sflag:s22] =	dma.local [hbm:s5], s20  }
0x9e: {  	_ =	swait.ge [sflag:s22], s20  }
0x9f: {  	s4 =	ssub.s32 $0x0, s20;
	[sflag:s22] =	ssyncset.done $0x0  }
0xa0: {  	[sflag:s22] =	ssyncadd.s32 s4;
	_ =	sdelay $0x1  }
0xa1: {  	s23 =	simm.s32 $0x1B8B  }
0xa2: {  	_ =	swait.ge [sflag:s23], $0x1  }
0xa3: {  	[sflag:s23] =	ssyncset.done $0x0  }
0xa4: {  	s25 =	simm.s32 $0x1B8E;
	s24 =	sld [smem:$0x3FFE];
	[sflag:s23] =	ssyncadd.s32 $0xFFFFFFFF  }
0xa5: {  	s26 =	simm.s32 $execute0_lowered;
	[smem:$0x3FD2] =	sst s25  }
0xa6: {  	s5 =	sshll.u32 s26, $0x1;
	_ =	strace $0x8000004C;
	[dreg:$0x1] =	wrdreg $0xFFFFFFFF  }
0xa7: {  	s28 =	simm.s32 $_size_execute0_lowered;
	s3 =	sadd.s32 s3, s5;
	[dreg:$0x0] =	wrdreg $0x0  }
0xa8: {  	s5 =	sshll.u32 s28, $0x1;
	[dreg:$0x2] =	wrdreg s3  }
0xa9: {  	[dreg:$0x3] =	wrdreg s5  }
0xaa: {  	[dreg:$0x4] =	wrdreg $0xC0  }
0xab: {  	_ =	task [dreg:s7], $0x5FFFF  }
0xac: {  	[dreg:$0x1] =	wrdreg $0xFFFFFFFF  }
0xad: {  	[dreg:$0x0] =	wrdreg $0x60  }
0xae: {  	[dreg:$0x2] =	wrdreg s24  }
0xaf: {  	[dreg:$0x3] =	wrdreg s2  }
0xb0: {  	[dreg:$0x4] =	wrdreg $0x58000  }
0xb1: {  	[dreg:$0x5] =	wrdreg $0x9  }
0xb2: {  	_ =	task.clear_ibuf [dreg:s7], $0x6FFFF;
	_ =	strace $0x9000004C  }
0xb3: {  	s29 =	simm.s32 $0x9;
	_ =	strace $0x8000004E  }
0xb4: {  	_ =	swait.ge [sflag:s29], $0x1  }
0xb5: {  	[sflag:s29] =	ssyncadd.s32 $0xFFFFFFFF  }
0xb6: {  	_ =	strace $0x9000004E  }
0xb7: {  	_ =	sfence  }
0xb8: {  	s30 =	sld [smem:$0x0];
	_ =	sdelay $0x2  }
0xb9: {  	s31 =	sshll.u32 s1, $0xD;
	s1 =	sshrl.u32 s1, $0x2  }
0xba: {  	s3 =	sand.u32 $0x4000, s31;
	s1 =	sadd.s32 s1, s30  }
0xbb: {  	s0 =	sor.u32 s3, s0;
	s1 =	sshll.u32 s1, $0x11  }
0xbc: {  	s0 =	sor.u32 s1, s0  }
0xbd: {  	s0 =	sadd.s32 $0x8F2B, s0  }
0xbe: {  	[sflag:s0] =	ssyncadd.remote.s32 $0x1  }
0xbf: {  	_ =	sfence.sel $0xFFFF  }
0xc0: {  	[dreg:$0x0] =	wrdreg $0xFFFFFFFF;
	(pc) =	sbr.abs _section_cstart, $3  }
0xc1: {  	[dreg:$0x1] =	wrdreg $0xFFFFFFFF  }
0xc2: {  	_ =	task.clear_ibuf [dreg:s7], $0x2FFFF;
	_ =	strace $0x9FFFFFFF  }
0xc3: {  	(tm) =	ssettm $0x7FFFFFFF  }
tec
execute0_lowered:
.L_overlay_start_1:
0x0: {  	(tag) =	ssettag $0x1  }
0x1: {  	s6 =	rddreg [dreg:$0x0]  }
0x2: {  	s14 =	rddreg [dreg:$0x1];
	s1 =	srdreg.scid  }
0x3: {  	s0 =	stileid.u32;
	s2 =	rddreg [dreg:$0x2]  }
0x4: {  	s3 =	simm.s32 $0x0;
	s18 =	simm.s32 $0x3;
	s19 =	simm.s32 $0x1400  }
0x5: {  	s20 =	simm.s32 $0x80;
	s21 =	simm.s32 $0x4000;
	s22 =	simm.s32 $0x1  }
0x6: {  	s23 =	simm.s32 $0x2;
	s24 =	simm.s32 $0x2700;
	s25 =	simm.s32 $0x2780  }
0x7: {  	s7 =	sand.u32 $0x1, s1;
	s8 =	smul.u32 $0x7800, s0;
	s1 =	rddreg [dreg:$0x3]  }
0x8: {  	s26 =	simm.s32 $0x0;
	[smem:$0x7FF] =	sst s3;
	s10 =	smul.u32 $0x1E000, s0  }
0x9: {  	s4 =	sadd.s32 $0x16800, s6;
	s13 =	sadd.s32 $0xC800, s6;
	s5 =	smul.u32 $0x78000, s7  }
0xa: {  	s28 =	sshll.u32 s0, $0x1;
	_ =	strace $0x8000004D;
	s29 =	ssub.s32 $0x2, s7  }
0xb: {  	s30 =	sshrl.u32 s10, $0x2;
	s31 =	sshrl.u32 s29, $0x1;
	s5 =	sadd.s32 s8, s5  }
0xc: {  	s11 =	sadd.s32 s30, s2;
	s16 =	ssub.s32 s29, s31;
	s9 =	sshrl.u32 s5, $0x3  }
0xd: {  	s5 =	sadd.s32 $0x2000, s6;
	s15 =	sadd.s32 s9, s6;
	s6 =	sor.u32 s7, s28  }
0xe: {  	s10 =	sadd.s32 $0x6000, s11;
	s16 =	smax.u32 s16, $0x1;
	s12 =	smul.u32 $0x2800, s6  }
0xf: {  	s7 =	sadd.s32 $0x1800, s11;
	s9 =	sadd.s32 $0x4800, s11;
	s6 =	sadd.s32 s8, s2  }
0x10: {  	s8 =	sadd.s32 $0x3000, s11;
	s15 =	sadd.s32 $0x25800, s15;
	s12 =	sshrl.u32 s12, $0x3  }
0x11: {  	s11 =	sadd.s32 s13, s12;
	s17 =	sadd.s32 $0x280, s12;
	s12 =	sadd.s32 s14, s12  }
0x12: {  	s13 =	sadd.s32 s13, s17;
	s14 =	sadd.s32 s14, s17;
	s17 =	simm.s32 $0x2800  }
.LBB2_1:
0x13: {  	[tilespmem:s17], [sflag:$0x3] =	stream.linear.gather [hbm4b:s5+s3], $0x1800, $0x38;
	[tilespmem:$0xD000] =	vst v63  }
0x14: {  	_ =	swait.ge [sflag:s18], $0x1800  }
0x15: {  	[sflag:s18] =	ssyncset.done $0x0  }
0x16: {  	[sflag:s18] =	ssyncadd.s32 $0xFFFFE800  }
0x17: {  	[spmem:s6] =	stream.linear.scatter [tilespmem:s17], [sflag:$0x3], $0x1800, $0x38;
	[tilespmem:$0xD000] =	vst v63  }
0x18: {  	_ =	swait.ge [sflag:s18], $0x1800  }
0x19: {  	[sflag:s18] =	ssyncset.done $0x0  }
0x1a: {  	[sflag:s18] =	ssyncadd.s32 $0xFFFFE800  }
0x1b: {  	[spmem:s7] =	stream.linear.scatter [tilespmem:s17], [sflag:$0x3], $0x1800, $0x38;
	[tilespmem:$0xD000] =	vst v63  }
0x1c: {  	_ =	swait.ge [sflag:s18], $0x1800  }
0x1d: {  	[sflag:s18] =	ssyncset.done $0x0  }
0x1e: {  	[sflag:s18] =	ssyncadd.s32 $0xFFFFE800  }
0x1f: {  	[spmem:s8] =	stream.linear.scatter [tilespmem:s17], [sflag:$0x3], $0x1800, $0x38;
	[tilespmem:$0xD000] =	vst v63  }
0x20: {  	_ =	swait.ge [sflag:s18], $0x1800  }
0x21: {  	[sflag:s18] =	ssyncset.done $0x0  }
0x22: {  	[sflag:s18] =	ssyncadd.s32 $0xFFFFE800  }
0x23: {  	[spmem:s9] =	stream.linear.scatter [tilespmem:s17], [sflag:$0x3], $0x1800, $0x38;
	[tilespmem:$0xD000] =	vst v63  }
0x24: {  	_ =	swait.ge [sflag:s18], $0x1800  }
0x25: {  	[sflag:s18] =	ssyncset.done $0x0  }
0x26: {  	[sflag:s18] =	ssyncadd.s32 $0xFFFFE800  }
0x27: {  	[spmem:s10] =	stream.linear.scatter [tilespmem:s17], [sflag:$0x3], $0x1800, $0x38;
	[tilespmem:$0xD000] =	vst v63  }
0x28: {  	_ =	swait.ge [sflag:s18], $0x1800  }
0x29: {  	[sflag:s18] =	ssyncset.done $0x0  }
0x2a: {  	[sflag:s18] =	ssyncadd.s32 $0xFFFFE800  }
0x2b: {  	[bflag:$0x0] =	sbarrier.arrive $0xFFFF  }
0x2c: {  	[tilespmem:s3], [sflag:$0x3] =	stream.linear.gather [hbm4b:s11+s3], $0x1400, $0x38;
	[tilespmem:$0xD000] =	vst v63  }
0x2d: {  	_ =	swait.ge [sflag:s18], $0x1400  }
0x2e: {  	[sflag:s18] =	ssyncset.done $0x0  }
0x2f: {  	[sflag:s18] =	ssyncadd.s32 $0xFFFFEC00  }
0x30: {  	[tilespmem:s19], [sflag:$0x3] =	stream.linear.gather [hbm4b:s12+s3], $0x1400, $0x38;
	[tilespmem:$0xD000] =	vst v63  }
0x31: {  	_ =	swait.ge [sflag:s18], $0x1400  }
0x32: {  	[sflag:s18] =	ssyncset.done $0x0  }
0x33: {  	[sflag:s18] =	ssyncadd.s32 $0xFFFFEC00  }
0x34: {  	[tilespmem:s17], [sflag:$0x1] =	stream.indirect.gather [hbm4b:s4+s20], $0x30, s3, s20, $0xb8;
	[tilespmem:$0xD000] =	vst v63  }
0x35: {  	_ = 	snop  }
0x36: {  	[tilespmem:s21], [sflag:$0x2] =	stream.indirect.gather [hbm4b:s4+s20], $0x30, s20, s20, $0xb8;
	[tilespmem:$0xD000] =	vst v63  }
0x37: {  	_ =	swait.ge [sflag:s22], $0x1800  }
0x38: {  	[sflag:s22] =	ssyncset.done $0x0  }
0x39: {  	s28 =	simm.s32 $0x1400;
	[sflag:s22] =	ssyncadd.s32 $0xFFFFE800  }
0x3a: {  	[spmem:s2] =	stream.indirect.scatter.add.f32 [tilespmem:s17], [sflag:$0x3], $0x30, s28, s20, $0xb8;
	[tilespmem:$0xD000] =	vst v63  }
0x3b: {  	_ =	swait.ge [sflag:s18], $0x1800  }
0x3c: {  	[sflag:s18] =	ssyncset.done $0x0  }
0x3d: {  	s28 =	simm.s32 $0x100;
	[sflag:s18] =	ssyncadd.s32 $0xFFFFE800  }
0x3e: {  	[tilespmem:s17], [sflag:$0x1] =	stream.indirect.gather [hbm4b:s4+s20], $0x30, s28, s20, $0xb8;
	[tilespmem:$0xD000] =	vst v63  }
0x3f: {  	_ =	swait.ge [sflag:s23], $0x1800  }
0x40: {  	[sflag:s23] =	ssyncset.done $0x0  }
0x41: {  	s28 =	simm.s32 $0x1480;
	[sflag:s23] =	ssyncadd.s32 $0xFFFFE800  }
0x42: {  	[spmem:s2] =	stream.indirect.scatter.add.f32 [tilespmem:s21], [sflag:$0x3], $0x30, s28, s20, $0xb8;
	[tilespmem:$0xD000] =	vst v63  }
0x43: {  	_ =	swait.ge [sflag:s18], $0x1800  }
0x44: {  	[sflag:s18] =	ssyncset.done $0x0  }
0x45: {  	s29 =	simm.s32 $0x180;
	s28 =	simm.s32 $0x400;
	[sflag:s18] =	ssyncadd.s32 $0xFFFFE800  }
.LBB2_2:
0x46: {  	[tilespmem:s21], [sflag:$0x2] =	stream.indirect.gather [hbm4b:s4+s20], $0x30, s29, s20, $0xb8;
	[tilespmem:$0xD000] =	vst v63  }
0x47: {  	s29 =	smov.u32 s28  }
0x48: {  	p0 =	sne.s32 s28, $0x4800;
	s28 =	sadd.s32 $0x400, s28;
	_ =	swait.ge [sflag:s22], $0x1800  }
0x49: {  	s29 =	sshra.s32 s29, $0x2;
	[sflag:s22] =	ssyncset.done $0x0  }
0x4a: {  	s30 =	sadd.s32 $0x1400, s29;
	[sflag:s22] =	ssyncadd.s32 $0xFFFFE800  }
0x4b: {  	[spmem:s2] =	stream.indirect.scatter.add.f32 [tilespmem:s17], [sflag:$0x3], $0x30, s30, s20, $0xb8;
	[tilespmem:$0xD000] =	vst v63  }
0x4c: {  	_ =	swait.ge [sflag:s18], $0x1800  }
0x4d: {  	[sflag:s18] =	ssyncset.done $0x0  }
0x4e: {  	s30 =	sadd.s32 $0x100, s29;
	[sflag:s18] =	ssyncadd.s32 $0xFFFFE800  }
0x4f: {  	[tilespmem:s17], [sflag:$0x1] =	stream.indirect.gather [hbm4b:s4+s20], $0x30, s30, s20, $0xb8;
	[tilespmem:$0xD000] =	vst v63  }
0x50: {  	_ =	swait.ge [sflag:s23], $0x1800  }
0x51: {  	[sflag:s23] =	ssyncset.done $0x0  }
.Ltmp0:
0x52: {  	s30 =	sadd.s32 $0x1480, s29;
	[sflag:s23] =	ssyncadd.s32 $0xFFFFE800;
	(pc) =	sbr.rel @p0 .LBB2_2-.Ltmp0, $4  }
0x53: {  	[spmem:s2] =	stream.indirect.scatter.add.f32 [tilespmem:s21], [sflag:$0x3], $0x30, s30, s20, $0xb8;
	[tilespmem:$0xD000] =	vst v63  }
0x54: {  	_ =	swait.ge [sflag:s18], $0x1800  }
0x55: {  	[sflag:s18] =	ssyncset.done $0x0  }
0x56: {  	s29 =	sadd.s32 $0x180, s29;
	[sflag:s18] =	ssyncadd.s32 $0xFFFFE800  }
0x57: {  	[tilespmem:s21], [sflag:$0x2] =	stream.indirect.gather [hbm4b:s4+s20], $0x30, s29, s20, $0xb8;
	[tilespmem:$0xD000] =	vst v63  }
0x58: {  	_ =	swait.ge [sflag:s22], $0x1800  }
0x59: {  	[sflag:s22] =	ssyncset.done $0x0  }
0x5a: {  	[sflag:s22] =	ssyncadd.s32 $0xFFFFE800  }
0x5b: {  	[spmem:s2] =	stream.indirect.scatter.add.f32 [tilespmem:s17], [sflag:$0x3], $0x30, s24, s20, $0xb8;
	[tilespmem:$0xD000] =	vst v63  }
0x5c: {  	_ =	swait.ge [sflag:s18], $0x1800  }
0x5d: {  	[sflag:s18] =	ssyncset.done $0x0  }
0x5e: {  	[sflag:s18] =	ssyncadd.s32 $0xFFFFE800  }
0x5f: {  	_ =	swait.ge [sflag:s23], $0x1800  }
0x60: {  	[sflag:s23] =	ssyncset.done $0x0  }
0x61: {  	[sflag:s23] =	ssyncadd.s32 $0xFFFFE800  }
0x62: {  	[spmem:s2] =	stream.indirect.scatter.add.f32 [tilespmem:s21], [sflag:$0x3], $0x30, s25, s20, $0xb8;
	[tilespmem:$0xD000] =	vst v63  }
0x63: {  	_ =	swait.ge [sflag:s18], $0x1800  }
0x64: {  	[sflag:s18] =	ssyncset.done $0x0  }
0x65: {  	s28 =	simm.s32 $0x0;
	[sflag:s18] =	ssyncadd.s32 $0xFFFFE800  }
0x66: {  	[tilespmem:s28], [sflag:$0x3] =	stream.linear.gather [hbm4b:s13+s28], $0x1400, $0x38;
	[tilespmem:$0xD000] =	vst v63  }
0x67: {  	_ =	swait.ge [sflag:s18], $0x1400  }
0x68: {  	[sflag:s18] =	ssyncset.done $0x0  }
0x69: {  	[sflag:s18] =	ssyncadd.s32 $0xFFFFEC00  }
0x6a: {  	[tilespmem:s19], [sflag:$0x3] =	stream.linear.gather [hbm4b:s14+s28], $0x1400, $0x38;
	[tilespmem:$0xD000] =	vst v63  }
0x6b: {  	_ =	swait.ge [sflag:s18], $0x1400  }
0x6c: {  	[sflag:s18] =	ssyncset.done $0x0  }
0x6d: {  	[sflag:s18] =	ssyncadd.s32 $0xFFFFEC00  }
0x6e: {  	[tilespmem:s17], [sflag:$0x1] =	stream.indirect.gather [hbm4b:s4+s20], $0x30, s28, s20, $0xb8;
	[tilespmem:$0xD000] =	vst v63  }
0x6f: {  	_ = 	snop  }
0x70: {  	[tilespmem:s21], [sflag:$0x2] =	stream.indirect.gather [hbm4b:s4+s20], $0x30, s20, s20, $0xb8;
	[tilespmem:$0xD000] =	vst v63  }
0x71: {  	_ =	swait.ge [sflag:s22], $0x1800  }
0x72: {  	[sflag:s22] =	ssyncset.done $0x0  }
0x73: {  	s28 =	simm.s32 $0x1400;
	[sflag:s22] =	ssyncadd.s32 $0xFFFFE800  }
0x74: {  	[spmem:s2] =	stream.indirect.scatter.add.f32 [tilespmem:s17], [sflag:$0x3], $0x30, s28, s20, $0xb8;
	[tilespmem:$0xD000] =	vst v63  }
0x75: {  	_ =	swait.ge [sflag:s18], $0x1800  }
0x76: {  	[sflag:s18] =	ssyncset.done $0x0  }
0x77: {  	s28 =	simm.s32 $0x100;
	[sflag:s18] =	ssyncadd.s32 $0xFFFFE800  }
0x78: {  	[tilespmem:s17], [sflag:$0x1] =	stream.indirect.gather [hbm4b:s4+s20], $0x30, s28, s20, $0xb8;
	[tilespmem:$0xD000] =	vst v63  }
0x79: {  	_ =	swait.ge [sflag:s23], $0x1800  }
0x7a: {  	[sflag:s23] =	ssyncset.done $0x0  }
0x7b: {  	s28 =	simm.s32 $0x1480;
	[sflag:s23] =	ssyncadd.s32 $0xFFFFE800  }
0x7c: {  	[spmem:s2] =	stream.indirect.scatter.add.f32 [tilespmem:s21], [sflag:$0x3], $0x30, s28, s20, $0xb8;
	[tilespmem:$0xD000] =	vst v63  }
0x7d: {  	_ =	swait.ge [sflag:s18], $0x1800  }
0x7e: {  	[sflag:s18] =	ssyncset.done $0x0  }
0x7f: {  	s29 =	simm.s32 $0x180;
	s28 =	simm.s32 $0x400;
	[sflag:s18] =	ssyncadd.s32 $0xFFFFE800  }
.LBB2_4:
0x80: {  	[tilespmem:s21], [sflag:$0x2] =	stream.indirect.gather [hbm4b:s4+s20], $0x30, s29, s20, $0xb8;
	[tilespmem:$0xD000] =	vst v63  }
0x81: {  	s29 =	smov.u32 s28  }
0x82: {  	p0 =	sne.s32 s28, $0x4800;
	s28 =	sadd.s32 $0x400, s28;
	_ =	swait.ge [sflag:s22], $0x1800  }
0x83: {  	s29 =	sshra.s32 s29, $0x2;
	[sflag:s22] =	ssyncset.done $0x0  }
0x84: {  	s30 =	sadd.s32 $0x1400, s29;
	[sflag:s22] =	ssyncadd.s32 $0xFFFFE800  }
0x85: {  	[spmem:s2] =	stream.indirect.scatter.add.f32 [tilespmem:s17], [sflag:$0x3], $0x30, s30, s20, $0xb8;
	[tilespmem:$0xD000] =	vst v63  }
0x86: {  	_ =	swait.ge [sflag:s18], $0x1800  }
0x87: {  	[sflag:s18] =	ssyncset.done $0x0  }
0x88: {  	s30 =	sadd.s32 $0x100, s29;
	[sflag:s18] =	ssyncadd.s32 $0xFFFFE800  }
0x89: {  	[tilespmem:s17], [sflag:$0x1] =	stream.indirect.gather [hbm4b:s4+s20], $0x30, s30, s20, $0xb8;
	[tilespmem:$0xD000] =	vst v63  }
0x8a: {  	_ =	swait.ge [sflag:s23], $0x1800  }
0x8b: {  	[sflag:s23] =	ssyncset.done $0x0  }
.Ltmp1:
0x8c: {  	s30 =	sadd.s32 $0x1480, s29;
	[sflag:s23] =	ssyncadd.s32 $0xFFFFE800;
	(pc) =	sbr.rel @p0 .LBB2_4-.Ltmp1, $4  }
0x8d: {  	[spmem:s2] =	stream.indirect.scatter.add.f32 [tilespmem:s21], [sflag:$0x3], $0x30, s30, s20, $0xb8;
	[tilespmem:$0xD000] =	vst v63  }
0x8e: {  	_ =	swait.ge [sflag:s18], $0x1800  }
0x8f: {  	[sflag:s18] =	ssyncset.done $0x0  }
0x90: {  	s29 =	sadd.s32 $0x180, s29;
	[sflag:s18] =	ssyncadd.s32 $0xFFFFE800  }
0x91: {  	[tilespmem:s21], [sflag:$0x2] =	stream.indirect.gather [hbm4b:s4+s20], $0x30, s29, s20, $0xb8;
	[tilespmem:$0xD000] =	vst v63  }
0x92: {  	_ =	swait.ge [sflag:s22], $0x1800  }
0x93: {  	[sflag:s22] =	ssyncset.done $0x0  }
0x94: {  	[sflag:s22] =	ssyncadd.s32 $0xFFFFE800  }
0x95: {  	[spmem:s2] =	stream.indirect.scatter.add.f32 [tilespmem:s17], [sflag:$0x3], $0x30, s24, s20, $0xb8;
	[tilespmem:$0xD000] =	vst v63  }
0x96: {  	_ =	swait.ge [sflag:s18], $0x1800  }
0x97: {  	[sflag:s18] =	ssyncset.done $0x0  }
0x98: {  	[sflag:s18] =	ssyncadd.s32 $0xFFFFE800  }
0x99: {  	_ =	swait.ge [sflag:s23], $0x1800  }
0x9a: {  	[sflag:s23] =	ssyncset.done $0x0  }
0x9b: {  	[sflag:s23] =	ssyncadd.s32 $0xFFFFE800  }
0x9c: {  	[spmem:s2] =	stream.indirect.scatter.add.f32 [tilespmem:s21], [sflag:$0x3], $0x30, s25, s20, $0xb8;
	[tilespmem:$0xD000] =	vst v63  }
0x9d: {  	_ =	swait.ge [sflag:s18], $0x1800  }
0x9e: {  	s28 =	sshll.u32 s0, $0x6;
	s26 =	sadd.s32 $0x1, s26;
	[sflag:s18] =	ssyncset.done $0x0  }
0x9f: {  	s31 =	sshrl.u32 s6, $0x3;
	p0 =	sne.s32 s26, s16;
	[sflag:s18] =	ssyncadd.s32 $0xFFFFE800  }
.Ltmp2:
0xa0: {  	s28 =	sor.u32 $0x1C03, s28;
	[bflag:$0x0] =	sbarrier.arrive $0xFFFF;
	(pc) =	sbr.rel @p0 .LBB2_1-.Ltmp2, $4  }
0xa1: {  	[hbm:s15], [sflag:s28] =	dma.local [spmem:s31], $0xF00  }
0xa2: {  	_ =	swait.ge [sflag:s18], $0xF00  }
0xa3: {  	[sflag:s18] =	ssyncset.done $0x0  }
0xa4: {  	[sflag:s18] =	ssyncadd.s32 $0xFFFFF100  }
0xa5: {  	_ =	sfence.sel $0x180000  }
0xa6: {  	[bflag:$0x0] =	sbarrier.arrive $0xFFFF  }
0xa7: {  	p0 =	sne.s32 s0, $0x0;
	_ =	strace $0x9000004D  }
0xa8: {  	s0 =	sadd.s32 @!p0 $0x100000, s1;
	[bflag:$0x2] =	sbarrier.arrive $0xFFFF  }
0xa9: {  	[sflag:s0] =	ssyncadd.tile.s32 @!p0 $0x1;
	_ =	shalt  }
.Lfunc_end2:
_tile_overlayer_lowered:
.L_overlay_start_2:
0xaa: {  	(tag) =	ssettag $0x2  }
0xab: {  	s0 =	rddreg [dreg:$0x0];
	s2 =	stileid.u32  }
0xac: {  	s1 =	rddreg [dreg:$0x1];
	p0 =	sne.s32 s2, $0x0  }
0xad: {  	s3 =	rddreg [dreg:$0x2];
	[bflag:$0x3] =	sbarrier.arrive $0xFFFF;
	s2 =	simm.s32 @!p0 $0x1C03  }
0xae: {  	[timem:s3], [sflag:s2] =	dma.local @!p0 [hbm:s0], s1  }
0xaf: {  	s0 =	simm.s32 @!p0 $0x3  }
0xb0: {  	_ =	swait.ge @!p0 [sflag:s0], s1  }
0xb1: {  	s1 =	ssub.s32 @!p0 $0x0, s1;
	[sflag:s0] =	ssyncset.done @!p0 $0x0  }
0xb2: {  	[sflag:s0] =	ssyncadd.s32 @!p0 s1  }
0xb3: {  	[bflag:$0x3] =	sbarrier.arrive $0xFFFF  }
0xb4: {  	_ =	shalt  }

// kernel: kernel.8.cloned.1.call-start
scs
__scs_entry_jumppad:
0x0: {  	(pc) =	sbr.rel $0x88, $3  }
0x1: {  	(tag) =	ssettag $0x0;
	lr =	simm.s32 $0x1  }
0x2: {  	[smem:$0x3F9B] =	sst lr;
	_ =	strace $0xD0000000  }
0x3: {  	_ = 	snop  }
0x4: {  	_ = 	snop  }
0x5: {  	_ = 	snop  }
0x6: {  	_ = 	snop  }
0x7: {  	_ = 	snop  }
__scs_overlays_trampoline_lowered:
0x8: {  	[smem:$0x3FAA] =	sst s0  }
0x9: {  	[smem:$0x3FAB] =	sst s1  }
0xa: {  	[smem:$0x3FAC] =	sst s2  }
0xb: {  	[smem:$0x3FAD] =	sst s3  }
0xc: {  	[smem:$0x3FAE] =	sst s4  }
0xd: {  	[smem:$0x3FAF] =	sst s5  }
0xe: {  	[smem:$0x3FB0] =	sst s6  }
0xf: {  	[smem:$0x3FB1] =	sst s7  }
0x10: {  	[smem:$0x3FB2] =	sst s8  }
0x11: {  	[smem:$0x3FB3] =	sst s9;
	s0 =	simm.s32 @!p0 $0x0  }
0x12: {  	s1 =	sld [smem:$0x3F99];
	s0 =	simm.s32 @p0 $0x1  }
0x13: {  	[smem:$0x3FB4] =	sst s0;
	s0 =	simm.s32 @!p1 $0x0  }
0x14: {  	s2 =	sld [smem:$0x3F98];
	s0 =	simm.s32 @p1 $0x1  }
0x15: {  	[smem:$0x3FB5] =	sst s0;
	s0 =	simm.s32 @!p2 $0x0  }
0x16: {  	s3 =	sld [smem:$0x3FDB];
	s0 =	simm.s32 @p2 $0x1  }
0x17: {  	s4 =	simm.s32 $0x1BF5;
	[smem:$0x3FB7] =	sst s0  }
0x18: {  	s0 =	sld [smem:$0x3F9A];
	_ =	swait.ge [sflag:s4], $0x0  }
0x19: {  	s7 =	sld [smem:$0x3F9B]  }
0x1a: {  	s8 =	sadd.s32 $0xFFFFE003, lr  }
0x1b: {  	s9 =	sadd.s32 $0xFFFFFEF7, lr;
	s5 =	simm.s32 $0xFFFFFFFF;
	p2 =	slt.u32 s8, $0xFFFFF086  }
0x1c: {  	p1 =	slt.u32 s9, $0xF7A;
	s5 =	simm.s32 @!p2 $0x0  }
0x1d: {  	s5 =	simm.s32 @p1 $0x1;
	p0 =	seq.s32 s7, s2  }
0x1e: {  	s7 =	smul.u32 @!p0 $0xF7A, s2;
	p2 =	seq.s32 @!p0 s5, $0x0  }
0x1f: {  	s9 =	smul.u32 $0xF7A, s1;
	s8 =	simm.s32 @!p0 $0x1BF5;
	p2 =	por !p2, p0  }
0x20: {  	[sflag:s8] =	ssyncset.s32 @!p0 $0xFFFFF086;
	s6 =	sadd.s32 @!p0 s3, s7;
	s7 =	simm.s32 @!p0 $0x108  }
0x21: {  	s3 =	sadd.s32 s3, s9;
	s6 =	sadd.s32 @!p0 $0x88, s6;
	s7 =	simm.s32 @p2 $0x1082  }
0x22: {  	[simem:s7], [sflag:s8] =	dma.local @!p0 [hbm:s6], $0xF7A  }
0x23: {  	s9 =	sor.u32 $0xD0000000, s2;
	s6 =	simm.s32 $0x108;
	_ =	swait.ge @!p0 [sflag:s8], $0x0  }
0x24: {  	s3 =	sadd.s32 $0x88, s3;
	s6 =	simm.s32 @!p1 $0x1082;
	[sflag:s4] =	ssyncset.s32 $0xFFFFF086  }
0x25: {  	[simem:s6], [sflag:s4] =	dma.local [hbm:s3], $0xF7A  }
0x26: {  	[smem:$0x3F9B] =	sst s1;
	(tag) =	ssettag s2;
	_ =	strace s9  }
0x27: {  	s1 =	sld [smem:$0x3FAB]  }
0x28: {  	s2 =	sld [smem:$0x3FAC]  }
0x29: {  	s4 =	sld [smem:$0x3FAE]  }
0x2a: {  	p0 =	seq.s32 s5, $0x0;
	s5 =	sld [smem:$0x3FAF]  }
0x2b: {  	s6 =	sld [smem:$0x3FB0]  }
0x2c: {  	s7 =	sld [smem:$0x3FB1]  }
0x2d: {  	s3 =	simm.s32 $0x108;
	s8 =	sld [smem:$0x3FB2]  }
0x2e: {  	s3 =	simm.s32 @!p0 $0x1082;
	s9 =	sld [smem:$0x3FB3]  }
0x2f: {  	lr =	sadd.s32 s0, s3;
	s0 =	sld [smem:$0x3FAA]  }
0x30: {  	s3 =	sld [smem:$0x3FAD]  }
0x31: {  	[smem:$0x3FB6] =	sst s10  }
0x32: {  	s10 =	sld [smem:$0x3FB4];
	_ =	sdelay $0x3  }
0x33: {  	p0 =	seq.s32 s10, $0x1;
	s10 =	sld [smem:$0x3FB6];
	_ =	sdelay $0x3  }
0x34: {  	[smem:$0x3FB6] =	sst s10  }
0x35: {  	s10 =	sld [smem:$0x3FB5];
	_ =	sdelay $0x3  }
0x36: {  	p1 =	seq.s32 s10, $0x1;
	s10 =	sld [smem:$0x3FB6];
	_ =	sdelay $0x3  }
0x37: {  	[smem:$0x3FB6] =	sst s10  }
0x38: {  	s10 =	sld [smem:$0x3FB7]  }
0x39: {  	_ = 	snop;
	(pc) =	sbr.ind lr, $3  }
0x3a: {  	_ = 	snop  }
0x3b: {  	_ = 	snop  }
0x3c: {  	p2 =	seq.s32 s10, $0x1;
	s10 =	sld [smem:$0x3FB6]  }
0x3d: {  	_ =	shalt  }
0x3e: {  	_ =	shalt  }
0x3f: {  	_ =	shalt  }
0x40: {  	_ =	shalt  }
0x41: {  	_ =	shalt  }
0x42: {  	_ =	shalt  }
0x43: {  	_ =	shalt  }
0x44: {  	_ =	shalt  }
0x45: {  	_ =	shalt  }
0x46: {  	_ =	shalt  }
0x47: {  	_ =	shalt  }
0x48: {  	_ =	shalt  }
0x49: {  	_ =	shalt  }
0x4a: {  	_ =	shalt  }
0x4b: {  	_ =	shalt  }
0x4c: {  	_ =	shalt  }
0x4d: {  	_ =	shalt  }
0x4e: {  	_ =	shalt  }
0x4f: {  	_ =	shalt  }
0x50: {  	_ =	shalt  }
0x51: {  	_ =	shalt  }
0x52: {  	_ =	shalt  }
0x53: {  	_ =	shalt  }
0x54: {  	_ =	shalt  }
0x55: {  	_ =	shalt  }
0x56: {  	_ =	shalt  }
0x57: {  	_ =	shalt  }
0x58: {  	_ =	shalt  }
0x59: {  	_ =	shalt  }
0x5a: {  	_ =	shalt  }
0x5b: {  	_ =	shalt  }
0x5c: {  	_ =	shalt  }
0x5d: {  	_ =	shalt  }
0x5e: {  	_ =	shalt  }
0x5f: {  	_ =	shalt  }
0x60: {  	_ =	shalt  }
0x61: {  	_ =	shalt  }
0x62: {  	_ =	shalt  }
0x63: {  	_ =	shalt  }
0x64: {  	_ =	shalt  }
0x65: {  	_ =	shalt  }
0x66: {  	_ =	shalt  }
0x67: {  	_ =	shalt  }
0x68: {  	_ =	shalt  }
0x69: {  	_ =	shalt  }
0x6a: {  	_ =	shalt  }
0x6b: {  	_ =	shalt  }
0x6c: {  	_ =	shalt  }
0x6d: {  	_ =	shalt  }
0x6e: {  	_ =	shalt  }
0x6f: {  	_ =	shalt  }
0x70: {  	_ =	shalt  }
0x71: {  	_ =	shalt  }
0x72: {  	_ =	shalt  }
0x73: {  	_ =	shalt  }
0x74: {  	_ =	shalt  }
0x75: {  	_ =	shalt  }
0x76: {  	_ =	shalt  }
0x77: {  	_ =	shalt  }
0x78: {  	_ =	shalt  }
0x79: {  	_ =	shalt  }
0x7a: {  	_ =	shalt  }
0x7b: {  	_ =	shalt  }
0x7c: {  	_ =	shalt  }
0x7d: {  	_ =	shalt  }
0x7e: {  	_ =	shalt  }
0x7f: {  	_ =	shalt  }
0x80: {  	_ =	shalt  }
0x81: {  	_ =	shalt  }
0x82: {  	_ =	shalt  }
0x83: {  	_ =	shalt  }
0x84: {  	_ =	shalt  }
0x85: {  	_ =	shalt  }
0x86: {  	_ =	shalt  }
0x87: {  	_ =	shalt  }
.Lfunc_end0:
.L_simem_size_0:
called_computation_lowered:
.L_overlay_start_0:
0x88: {  	s2 =	sld [smem:$0x3FD9]  }
0x89: {  	s3 =	sld [smem:$0x3FFE];
	_ =	sdelay $0x1  }
0x8a: {  	s1 =	srdreg.scid  }
0x8b: {  	s0 =	sand.u32 $0x1, s1  }
0x8c: {  	s17 =	sshll.u32 s0, $0xA;
	s2 =	sadd.s32 s3, s2  }
0x8d: {  	s2 =	sadd.s32 s2, s17  }
0x8e: {  	[smem:$0x3FC2] =	sst s2  }
0x8f: {  	_ = 	snop  }
0x90: {  	s2 =	sld [smem:$0x3FD0];
	(tm) =	ssettm $0x1  }
0x91: {  	s18 =	sld [smem:$0x3FFB];
	_ =	sdelay $0x3  }
0x92: {  	_ =	strace s18  }
0x93: {  	s3 =	sld [smem:$0x3FFC];
	_ =	sdelay $0x3  }
0x94: {  	_ =	strace s3  }
0x95: {  	s3 =	sld [smem:$0x3FFD];
	_ =	sdelay $0x3  }
0x96: {  	_ =	strace s3  }
0x97: {  	_ =	strace $0x8FFFFFFF  }
0x98: {  	s19 =	sld [smem:$0x3FDB];
	_ =	sdelay $0x1  }
0x99: {  	s4 =	simm.s32 $_scs_section_size  }
0x9a: {  	s5 =	simm.s32 $_size__tile_overlayer_lowered;
	s6 =	simm.s32 $_tile_overlayer_lowered  }
0x9b: {  	s22 =	simm.s32 $0x1BFF;
	s21 =	sshll.u32 s6, $0x1;
	s3 =	sadd.s32 s4, s19  }
0x9c: {  	s7 =	simm.s32 $0x0;
	s20 =	sshll.u32 s5, $0x1;
	s5 =	sadd.s32 s21, s3  }
0x9d: {  	[timem:s7], [sflag:s22] =	dma.local [hbm:s5], s20  }
0x9e: {  	_ =	swait.ge [sflag:s22], s20  }
0x9f: {  	s4 =	ssub.s32 $0x0, s20;
	[sflag:s22] =	ssyncset.done $0x0  }
0xa0: {  	[sflag:s22] =	ssyncadd.s32 s4;
	_ =	sdelay $0x1  }
0xa1: {  	s23 =	simm.s32 $0x1B8B  }
0xa2: {  	_ =	swait.ge [sflag:s23], $0x1  }
0xa3: {  	[sflag:s23] =	ssyncset.done $0x0  }
0xa4: {  	s25 =	simm.s32 $0x1B8E;
	s24 =	sld [smem:$0x3FFE];
	[sflag:s23] =	ssyncadd.s32 $0xFFFFFFFF  }
0xa5: {  	s26 =	simm.s32 $execute0_lowered;
	[smem:$0x3FD2] =	sst s25  }
0xa6: {  	s5 =	sshll.u32 s26, $0x1;
	_ =	strace $0x80000046;
	[dreg:$0x1] =	wrdreg $0xFFFFFFFF  }
0xa7: {  	s28 =	simm.s32 $_size_execute0_lowered;
	s3 =	sadd.s32 s3, s5;
	[dreg:$0x0] =	wrdreg $0x0  }
0xa8: {  	s5 =	sshll.u32 s28, $0x1;
	[dreg:$0x2] =	wrdreg s3  }
0xa9: {  	[dreg:$0x3] =	wrdreg s5  }
0xaa: {  	[dreg:$0x4] =	wrdreg $0xC0  }
0xab: {  	_ =	task [dreg:s7], $0x5FFFF  }
0xac: {  	[dreg:$0x1] =	wrdreg $0xFFFFFFFF  }
0xad: {  	[dreg:$0x0] =	wrdreg $0x60  }
0xae: {  	[dreg:$0x2] =	wrdreg s2  }
0xaf: {  	[dreg:$0x3] =	wrdreg s24  }
0xb0: {  	[dreg:$0x4] =	wrdreg $0x30000  }
0xb1: {  	[dreg:$0x5] =	wrdreg $0x9  }
0xb2: {  	_ =	task.clear_ibuf [dreg:s7], $0x6FFFF;
	_ =	strace $0x90000046  }
0xb3: {  	s29 =	simm.s32 $0x9;
	_ =	strace $0x80000048  }
0xb4: {  	_ =	swait.ge [sflag:s29], $0x1  }
0xb5: {  	[sflag:s29] =	ssyncadd.s32 $0xFFFFFFFF  }
0xb6: {  	_ =	strace $0x90000048  }
0xb7: {  	_ =	sfence  }
0xb8: {  	s30 =	sld [smem:$0x0];
	_ =	sdelay $0x2  }
0xb9: {  	s31 =	sshll.u32 s1, $0xD;
	s1 =	sshrl.u32 s1, $0x2  }
0xba: {  	s3 =	sand.u32 $0x4000, s31;
	s1 =	sadd.s32 s1, s30  }
0xbb: {  	s0 =	sor.u32 s3, s0;
	s1 =	sshll.u32 s1, $0x11  }
0xbc: {  	s0 =	sor.u32 s1, s0  }
0xbd: {  	s0 =	sadd.s32 $0x8F2B, s0  }
0xbe: {  	[sflag:s0] =	ssyncadd.remote.s32 $0x1  }
0xbf: {  	_ =	sfence.sel $0xFFFF  }
0xc0: {  	[dreg:$0x0] =	wrdreg $0xFFFFFFFF;
	(pc) =	sbr.abs _section_cstart, $3  }
0xc1: {  	[dreg:$0x1] =	wrdreg $0xFFFFFFFF  }
0xc2: {  	_ =	task.clear_ibuf [dreg:s7], $0x2FFFF;
	_ =	strace $0x9FFFFFFF  }
0xc3: {  	(tm) =	ssettm $0x7FFFFFFF  }
tec
execute0_lowered:
.L_overlay_start_1:
0x0: {  	(tag) =	ssettag $0x1  }
0x1: {  	s6 =	rddreg [dreg:$0x0]  }
0x2: {  	s7 =	rddreg [dreg:$0x1]  }
0x3: {  	s2 =	rddreg [dreg:$0x2]  }
0x4: {  	s0 =	rddreg [dreg:$0x3]  }
0x5: {  	s4 =	srdreg.scid;
	s1 =	stileid.u32;
	s3 =	simm.s32 $0x0  }
0x6: {  	s13 =	simm.s32 $0x80;
	s14 =	simm.s32 $0x0;
	s5 =	sand.u32 $0x1, s4  }
0x7: {  	s8 =	smul.u32 $0x2800, s1;
	[smem:$0x7FF] =	sst s3;
	s10 =	sshll.u32 s1, $0x1  }
0x8: {  	s4 =	sadd.s32 $0x2600, s7;
	s31 =	sshll.u32 s1, $0x6;
	s9 =	smul.u32 $0x28000, s5  }
0x9: {  	_ =	strace $0x80000047;
	s10 =	sor.u32 s5, s10;
	s11 =	ssub.s32 $0x2, s5  }
0xa: {  	s5 =	sadd.s32 $0x2000, s7;
	s10 =	smul.u32 $0x500, s10;
	s12 =	sadd.s32 s8, s2  }
0xb: {  	s30 =	sshrl.u32 s11, $0x1;
	s9 =	sadd.s32 s8, s9;
	s12 =	sshrl.u32 s12, $0x3  }
0xc: {  	s9 =	sshrl.u32 s9, $0x3;
	s6 =	sadd.s32 s6, s10;
	s10 =	simm.s32 $0x2800  }
0xd: {  	s7 =	sadd.s32 s9, s7;
	s9 =	ssub.s32 s11, s30;
	s11 =	sor.u32 $0x1C01, s31  }
0xe: {  	s7 =	sadd.s32 $0x2800, s7;
	s8 =	smax.u32 s9, $0x1;
	s9 =	simm.s32 $0x1  }
.LBB2_1:
0xf: {  	[tilespmem:s3], [sflag:$0x1] =	stream.linear.gather [hbm4b:s6+s3], $0x2800, $0x38;
	[tilespmem:$0x5800] =	vst v63  }
0x10: {  	_ =	swait.ge [sflag:s9], $0x2800  }
0x11: {  	[sflag:s9] =	ssyncset.done $0x0  }
0x12: {  	[sflag:s9] =	ssyncadd.s32 $0xFFFFD800  }
0x13: {  	[tilespmem:s10], [sflag:$0x1] =	stream.linear.gather [hbm4b:s4+s3], $0x800, $0x38;
	[tilespmem:$0x5800] =	vst v63  }
0x14: {  	_ =	swait.ge [sflag:s9], $0x800  }
0x15: {  	[sflag:s9] =	ssyncset.done $0x0  }
0x16: {  	[sflag:s9] =	ssyncadd.s32 $0xFFFFF800  }
0x17: {  	[spmem:s12], [sflag:s11] =	dma.local [hbm:s5], $0x500  }
0x18: {  	_ =	swait.ge [sflag:s9], $0x500  }
0x19: {  	[sflag:s9] =	ssyncset.done $0x0  }
0x1a: {  	[sflag:s9] =	ssyncadd.s32 $0xFFFFFB00  }
0x1b: {  	s15 =	simm.s32 $0x0;
	[bflag:$0x0] =	sbarrier.arrive $0xFFFF  }
0x1c: {  	[spmem:s2] =	stream.indirect.scatter.add.f32 [tilespmem:s10], [sflag:$0x1], $0x10, s15, s13, $0xb8;
	[tilespmem:$0x5800] =	vst v63  }
0x1d: {  	_ =	swait.ge [sflag:s9], $0x800  }
0x1e: {  	s15 =	simm.s32 $0x200;
	[sflag:s9] =	ssyncset.done $0x0  }
.LBB2_2:
0x1f: {  	s16 =	sshra.s32 s15, $0x2;
	[sflag:s9] =	ssyncadd.s32 $0xFFFFF800;
	p0 =	sne.s32 s15, $0x9E00  }
0x20: {  	[spmem:s2] =	stream.indirect.scatter.add.f32 [tilespmem:s10], [sflag:$0x1], $0x10, s16, s13, $0xb8;
	[tilespmem:$0x5800] =	vst v63  }
.Ltmp0:
0x21: {  	_ = 	snop;
	(pc) =	sbr.rel @p0 .LBB2_2-.Ltmp0, $4  }
0x22: {  	_ = 	snop  }
0x23: {  	s15 =	sadd.s32 $0x200, s15  }
0x24: {  	_ =	swait.ge [sflag:s9], $0x800  }
0x25: {  	[sflag:s9] =	ssyncset.done $0x0  }
0x26: {  	s14 =	sadd.s32 $0x1, s14  }
0x27: {  	[sflag:s9] =	ssyncadd.s32 $0xFFFFF800;
	p0 =	sne.s32 s14, s8  }
.Ltmp1:
0x28: {  	[bflag:$0x0] =	sbarrier.arrive $0xFFFF;
	(pc) =	sbr.rel @p0 .LBB2_1-.Ltmp1, $4  }
0x29: {  	[hbm:s7], [sflag:s11] =	dma.local [spmem:s12], $0x500  }
0x2a: {  	_ =	swait.ge [sflag:s9], $0x500  }
0x2b: {  	[sflag:s9] =	ssyncset.done $0x0  }
0x2c: {  	[sflag:s9] =	ssyncadd.s32 $0xFFFFFB00  }
0x2d: {  	_ =	sfence.sel $0x180000  }
0x2e: {  	[bflag:$0x0] =	sbarrier.arrive $0xFFFF  }
0x2f: {  	p0 =	sne.s32 s1, $0x0;
	_ =	strace $0x90000047  }
0x30: {  	s0 =	sadd.s32 @!p0 $0x100000, s0;
	[bflag:$0x2] =	sbarrier.arrive $0xFFFF  }
0x31: {  	[sflag:s0] =	ssyncadd.tile.s32 @!p0 $0x1;
	_ =	shalt  }
.Lfunc_end2:
_tile_overlayer_lowered:
.L_overlay_start_2:
0x32: {  	(tag) =	ssettag $0x2  }
0x33: {  	s0 =	rddreg [dreg:$0x0];
	s2 =	stileid.u32  }
0x34: {  	s1 =	rddreg [dreg:$0x1];
	p0 =	sne.s32 s2, $0x0  }
0x35: {  	s3 =	rddreg [dreg:$0x2];
	[bflag:$0x3] =	sbarrier.arrive $0xFFFF;
	s2 =	simm.s32 @!p0 $0x1C01  }
0x36: {  	[timem:s3], [sflag:s2] =	dma.local @!p0 [hbm:s0], s1  }
0x37: {  	s0 =	simm.s32 @!p0 $0x1  }
0x38: {  	_ =	swait.ge @!p0 [sflag:s0], s1  }
0x39: {  	s1 =	ssub.s32 @!p0 $0x0, s1;
	[sflag:s0] =	ssyncset.done @!p0 $0x0  }
0x3a: {  	[sflag:s0] =	ssyncadd.s32 @!p0 s1  }
0x3b: {  	[bflag:$0x3] =	sbarrier.arrive $0xFFFF  }
0x3c: {  	_ =	shalt  }

</sc_bundles>
